<compile_context>
chip_gen: v7x
topology: tpu7x:2x2x1
jax: 0.10.2.dev20260603
libtpu: 0.0.44.dev20260713+nightly
codegen_flags: <defaults>
</compile_context>

<pallas_src>
import functools

import jax
import jax.numpy as jnp
from jax import lax
from jax.experimental import pallas as pl
from jax.experimental.pallas import tpu as pltpu
from jax.experimental.pallas import tpu_sc as plsc

GAMMA = 12.0
BATCH = 4096
DIM = 128
LANES = 16
NUM_CORES = 2
NUM_SUBCORES = 16
NW = NUM_CORES * NUM_SUBCORES
BPW = BATCH // NW
CHUNKS = DIM // LANES
STRIDE = LANES + 1
NB = 8
BROWS = BPW // NB


def _transe_body(entity_hbm, relation_hbm, idx_hbm,
                 out_hbm,
                 idx_v, h_rows, r_rows, t_rows,
                 partials, out_v, sem_i, sem_a, sem_b, sem_c):
    wid = lax.axis_index("s") * NUM_CORES + lax.axis_index("c")
    base = wid * BPW

    pltpu.async_copy(idx_hbm.at[pl.ds(wid * 3 * BPW, 3 * BPW)], idx_v,
                     sem_i).wait()

    def block_copies(b, sem):
        s = pl.ds(b * BROWS, BROWS)
        return [
            pltpu.make_async_copy(
                entity_hbm.at[idx_v.at[pl.ds(b * BROWS, BROWS)]],
                h_rows.at[s, :], sem),
            pltpu.make_async_copy(
                relation_hbm.at[idx_v.at[pl.ds(BPW + b * BROWS, BROWS)]],
                r_rows.at[s, :], sem),
            pltpu.make_async_copy(
                entity_hbm.at[idx_v.at[pl.ds(2 * BPW + b * BROWS, BROWS)]],
                t_rows.at[s, :], sem),
        ]

    def fire(b, sem):
        for c in block_copies(b, sem):
            c.start()

    def drain(b, sem):
        for c in block_copies(b, sem):
            c.wait()

    fire(0, sem_a)
    fire(1, sem_b)
    fire(2, sem_c)

    lane = lax.iota(jnp.int32, LANES)

    def block_body(b, carry):
        par = b % 3

        @pl.when(par == 0)
        def _():
            drain(b, sem_a)

        @pl.when(par == 1)
        def _():
            drain(b, sem_b)

        @pl.when(par == 2)
        def _():
            drain(b, sem_c)

        @pl.when(jnp.logical_and(par == 0, b < NB - 3))
        def _():
            fire(b + 3, sem_a)

        @pl.when(jnp.logical_and(par == 1, b < NB - 3))
        def _():
            fire(b + 3, sem_b)

        @pl.when(jnp.logical_and(par == 2, b < NB - 3))
        def _():
            fire(b + 3, sem_c)

        def row_body(i, carry2):
            row = b * BROWS + i
            acc0 = jnp.zeros((LANES,), jnp.float32)
            acc1 = jnp.zeros((LANES,), jnp.float32)
            for c in range(0, CHUNKS, 2):
                hh = h_rows[row, pl.ds(c * LANES, LANES)]
                rr = r_rows[row, pl.ds(c * LANES, LANES)]
                tt = t_rows[row, pl.ds(c * LANES, LANES)]
                acc0 = acc0 + jnp.abs(hh + rr - tt)
                hh = h_rows[row, pl.ds((c + 1) * LANES, LANES)]
                rr = r_rows[row, pl.ds((c + 1) * LANES, LANES)]
                tt = t_rows[row, pl.ds((c + 1) * LANES, LANES)]
                acc1 = acc1 + jnp.abs(hh + rr - tt)
            partials[pl.ds(row * STRIDE, LANES)] = acc0 + acc1
            return carry2

        lax.fori_loop(0, BROWS, row_body, 0, unroll=2)

        for g in range(BROWS // LANES):
            rows = (lane + b * BROWS + g * LANES) * STRIDE
            tot = jnp.zeros((LANES,), jnp.float32)
            for c in range(LANES):
                tot = tot + plsc.load_gather(partials, [rows + c])
            out_v[pl.ds(b * BROWS + g * LANES, LANES)] = GAMMA - tot
        return carry

    lax.fori_loop(0, NB, block_body, 0)

    pltpu.sync_copy(out_v, out_hbm.at[pl.ds(base, BPW)])


_transe_sc = functools.partial(
    pl.kernel,
    mesh=plsc.VectorSubcoreMesh(core_axis_name="c", subcore_axis_name="s"),
    out_type=jax.ShapeDtypeStruct((BATCH,), jnp.float32),
    compiler_params=pltpu.CompilerParams(needs_layout_passes=False),
    scratch_types=[
        pltpu.VMEM((3 * BPW,), jnp.int32),
        pltpu.VMEM((BPW, DIM), jnp.float32),
        pltpu.VMEM((BPW, DIM), jnp.float32),
        pltpu.VMEM((BPW, DIM), jnp.float32),
        pltpu.VMEM((BPW * STRIDE,), jnp.float32),
        pltpu.VMEM((BPW,), jnp.float32),
        pltpu.SemaphoreType.DMA,
        pltpu.SemaphoreType.DMA,
        pltpu.SemaphoreType.DMA,
        pltpu.SemaphoreType.DMA,
    ],
)(_transe_body)


@jax.jit
def kernel(sample, entity_embedding, relation_embedding):
    idx_packed = jnp.concatenate(
        [sample[:, 0].reshape(NW, BPW), sample[:, 1].reshape(NW, BPW),
         sample[:, 2].reshape(NW, BPW)], axis=1).reshape(3 * BATCH)
    score = _transe_sc(entity_embedding, relation_embedding, idx_packed)
    return score.reshape(BATCH, 1)

# --- scband reference (transcript-rebuilt; emitter-appended) ---
"""Pipeline reference for scband-kgemodel-57741540327741 (READ-ONLY COPY).

The authoritative reference and input builder live on the scoring server;
editing this copy changes nothing except your own understanding.
"""

import jax, jax.numpy as jnp
import numpy as np

NENTITY = 100000
NRELATION = 1000
HIDDEN_DIM = 128
GAMMA = 12.0
EPSILON = 2.0
EMB_RANGE = (GAMMA + EPSILON) / HIDDEN_DIM
BATCH = 4096


def setup_inputs(seed: int = 0) -> dict:
    key = jax.random.key(seed)
    k1, k2, k3 = jax.random.split(key, 3)
    sample = jax.random.randint(k1, (BATCH, 3), 0, 1000, dtype=jnp.int64 if jax.config.jax_enable_x64 else jnp.int32).astype(jnp.int32)
    entity_embedding = jax.random.uniform(k2, (NENTITY, HIDDEN_DIM), minval=-EMB_RANGE, maxval=EMB_RANGE, dtype=jnp.float32)
    relation_embedding = jax.random.uniform(k3, (NRELATION, HIDDEN_DIM), minval=-EMB_RANGE, maxval=EMB_RANGE, dtype=jnp.float32)
    return {"sample": sample, "entity_embedding": entity_embedding, "relation_embedding": relation_embedding}


def reference(sample, entity_embedding, relation_embedding):
    # mode == 'single'; model_name == 'TransE'
    head = jnp.take(entity_embedding, sample[:, 0], axis=0)[:, None, :]
    relation = jnp.take(relation_embedding, sample[:, 1], axis=0)[:, None, :]
    tail = jnp.take(entity_embedding, sample[:, 2], axis=0)[:, None, :]
    score = head + relation - tail
    score = GAMMA - jnp.sum(jnp.abs(score), axis=2)  # L1 norm over dim 2
    return score

if __name__ == "__main__":
    import jax
    _d = setup_inputs()
    print(jax.jit(kernel)(*tuple(_d.values())))

</pallas_src>

<mosaic_0001>
#map = affine_map<(d0, d1) -> (0, 0)>
#map1 = affine_map<(d0, d1) -> (0)>
module attributes {stable_mosaic.version = 14 : i64} {
  func.func @_transe_body(%arg0: i32, %arg1: i32, %arg2: memref<100000x128xf32, #tpu.memory_space<hbm>>, %arg3: memref<1000x128xf32, #tpu.memory_space<hbm>>, %arg4: memref<12288xi32, #tpu.memory_space<hbm>>, %arg5: memref<4096xf32, #tpu.memory_space<hbm>>, %arg6: memref<384xi32, #tpu.memory_space<vmem>>, %arg7: memref<128x128xf32, #tpu.memory_space<vmem>>, %arg8: memref<128x128xf32, #tpu.memory_space<vmem>>, %arg9: memref<128x128xf32, #tpu.memory_space<vmem>>, %arg10: memref<2176xf32, #tpu.memory_space<vmem>>, %arg11: memref<128xf32, #tpu.memory_space<vmem>>, %arg12: memref<!tpu.dma_semaphore, #tpu.memory_space<semaphore_mem>>, %arg13: memref<!tpu.dma_semaphore, #tpu.memory_space<semaphore_mem>>, %arg14: memref<!tpu.dma_semaphore, #tpu.memory_space<semaphore_mem>>, %arg15: memref<!tpu.dma_semaphore, #tpu.memory_space<semaphore_mem>>) attributes {dimension_semantics = [#tpu.dimension_semantics<core_parallel>, #tpu.dimension_semantics<subcore_parallel>], iteration_bounds = array<i64: 2, 16>, scalar_prefetch = 0 : i64, scratch_operands = 10 : i64, tpu.core_type = #tpu.core_type<sc_vector_subcore>, window_params = [{transform_indices = #map}, {transform_indices = #map}, {transform_indices = #map1}, {transform_indices = #map1}]} {
    %mul3A = arith.constant 2 : i32
    %mul3A_0 = arith.muli %arg1, %mul3A : i32
    %add3A = arith.addi %mul3A_0, %arg0 : i32
    %mul3A_1 = arith.constant 128 : i32
    %mul3A_2 = arith.muli %add3A, %mul3A_1 : i32
    %mul3A_3 = arith.constant 3 : i32
    %mul3A_4 = arith.muli %add3A, %mul3A_3 : i32
    %mul3A_5 = arith.constant 128 : i32
    %mul3A_6 = arith.muli %mul3A_4, %mul3A_5 : i32
    %dma_start3A = tpu.memref_slice %arg4[%mul3A_6] : memref<12288xi32, #tpu.memory_space<hbm>> -> memref<384xi32, #tpu.memory_space<hbm>>
    %dma_start3A_7 = tpu.memref_slice %arg4[%mul3A_6] : memref<12288xi32, #tpu.memory_space<hbm>> -> memref<384xi32, #tpu.memory_space<hbm>>
    tpu.enqueue_dma source(%dma_start3A_7 : memref<384xi32, #tpu.memory_space<hbm>>) target(%arg6 : memref<384xi32, #tpu.memory_space<vmem>>) target_semaphore(%arg12 : memref<!tpu.dma_semaphore, #tpu.memory_space<semaphore_mem>>)
    %dma_wait3A = tpu.memref_slice %arg4[%mul3A_6] : memref<12288xi32, #tpu.memory_space<hbm>> -> memref<384xi32, #tpu.memory_space<hbm>>
    %dma_wait3A_8 = tpu.memref_slice %arg4[%mul3A_6] : memref<12288xi32, #tpu.memory_space<hbm>> -> memref<384xi32, #tpu.memory_space<hbm>>
    tpu.wait_dma2 semaphore(%arg12 : memref<!tpu.dma_semaphore, #tpu.memory_space<semaphore_mem>>) src(%dma_wait3A_8 : memref<384xi32, #tpu.memory_space<hbm>>) dst(%arg6 : memref<384xi32, #tpu.memory_space<vmem>>)
    %dma_start3A_9 = arith.constant 0 : i32
    %dma_start3A_10 = arith.constant 0 : i32
    %dma_start3A_11 = tpu.memref_slice %arg7[%dma_start3A_9, %dma_start3A_10] : memref<128x128xf32, #tpu.memory_space<vmem>> -> memref<16x128xf32, #tpu.memory_space<vmem>>
    %dma_start3A_12 = arith.constant 0 : i32
    %dma_start3A_13 = tpu.memref_slice %arg6[%dma_start3A_12] : memref<384xi32, #tpu.memory_space<vmem>> -> memref<16xi32, #tpu.memory_space<vmem>>
    %dma_start3A_14 = arith.constant 0 : i32
    %dma_start3A_15 = arith.constant 0 : i32
    %dma_start3A_16 = tpu.memref_slice %arg2[%dma_start3A_14, %dma_start3A_15] : memref<100000x128xf32, #tpu.memory_space<hbm>> -> memref<100000x128xf32, #tpu.memory_space<hbm>>
    tpu.enqueue_indirect_dma source(%dma_start3A_16 : memref<100000x128xf32, #tpu.memory_space<hbm>>) target(%dma_start3A_11 : memref<16x128xf32, #tpu.memory_space<vmem>>) offsets(%dma_start3A_13 : memref<16xi32, #tpu.memory_space<vmem>>) semaphore(%arg13 : memref<!tpu.dma_semaphore, #tpu.memory_space<semaphore_mem>>)
    %dma_start3A_17 = arith.constant 0 : i32
    %dma_start3A_18 = arith.constant 0 : i32
    %dma_start3A_19 = tpu.memref_slice %arg8[%dma_start3A_17, %dma_start3A_18] : memref<128x128xf32, #tpu.memory_space<vmem>> -> memref<16x128xf32, #tpu.memory_space<vmem>>
    %dma_start3A_20 = arith.constant 128 : i32
    %dma_start3A_21 = tpu.memref_slice %arg6[%dma_start3A_20] : memref<384xi32, #tpu.memory_space<vmem>> -> memref<16xi32, #tpu.memory_space<vmem>>
    %dma_start3A_22 = arith.constant 0 : i32
    %dma_start3A_23 = arith.constant 0 : i32
    %dma_start3A_24 = tpu.memref_slice %arg3[%dma_start3A_22, %dma_start3A_23] : memref<1000x128xf32, #tpu.memory_space<hbm>> -> memref<1000x128xf32, #tpu.memory_space<hbm>>
    tpu.enqueue_indirect_dma source(%dma_start3A_24 : memref<1000x128xf32, #tpu.memory_space<hbm>>) target(%dma_start3A_19 : memref<16x128xf32, #tpu.memory_space<vmem>>) offsets(%dma_start3A_21 : memref<16xi32, #tpu.memory_space<vmem>>) semaphore(%arg13 : memref<!tpu.dma_semaphore, #tpu.memory_space<semaphore_mem>>)
    %dma_start3A_25 = arith.constant 0 : i32
    %dma_start3A_26 = arith.constant 0 : i32
    %dma_start3A_27 = tpu.memref_slice %arg9[%dma_start3A_25, %dma_start3A_26] : memref<128x128xf32, #tpu.memory_space<vmem>> -> memref<16x128xf32, #tpu.memory_space<vmem>>
    %dma_start3A_28 = arith.constant 256 : i32
    %dma_start3A_29 = tpu.memref_slice %arg6[%dma_start3A_28] : memref<384xi32, #tpu.memory_space<vmem>> -> memref<16xi32, #tpu.memory_space<vmem>>
    %dma_start3A_30 = arith.constant 0 : i32
    %dma_start3A_31 = arith.constant 0 : i32
    %dma_start3A_32 = tpu.memref_slice %arg2[%dma_start3A_30, %dma_start3A_31] : memref<100000x128xf32, #tpu.memory_space<hbm>> -> memref<100000x128xf32, #tpu.memory_space<hbm>>
    tpu.enqueue_indirect_dma source(%dma_start3A_32 : memref<100000x128xf32, #tpu.memory_space<hbm>>) target(%dma_start3A_27 : memref<16x128xf32, #tpu.memory_space<vmem>>) offsets(%dma_start3A_29 : memref<16xi32, #tpu.memory_space<vmem>>) semaphore(%arg13 : memref<!tpu.dma_semaphore, #tpu.memory_space<semaphore_mem>>)
    %dma_start3A_33 = arith.constant 16 : i32
    %dma_start3A_34 = arith.constant 0 : i32
    %dma_start3A_35 = tpu.memref_slice %arg7[%dma_start3A_33, %dma_start3A_34] : memref<128x128xf32, #tpu.memory_space<vmem>> -> memref<16x128xf32, #tpu.memory_space<vmem>>
    %dma_start3A_36 = arith.constant 16 : i32
    %dma_start3A_37 = tpu.memref_slice %arg6[%dma_start3A_36] : memref<384xi32, #tpu.memory_space<vmem>> -> memref<16xi32, #tpu.memory_space<vmem>>
    %dma_start3A_38 = arith.constant 0 : i32
    %dma_start3A_39 = arith.constant 0 : i32
    %dma_start3A_40 = tpu.memref_slice %arg2[%dma_start3A_38, %dma_start3A_39] : memref<100000x128xf32, #tpu.memory_space<hbm>> -> memref<100000x128xf32, #tpu.memory_space<hbm>>
    tpu.enqueue_indirect_dma source(%dma_start3A_40 : memref<100000x128xf32, #tpu.memory_space<hbm>>) target(%dma_start3A_35 : memref<16x128xf32, #tpu.memory_space<vmem>>) offsets(%dma_start3A_37 : memref<16xi32, #tpu.memory_space<vmem>>) semaphore(%arg14 : memref<!tpu.dma_semaphore, #tpu.memory_space<semaphore_mem>>)
    %dma_start3A_41 = arith.constant 16 : i32
    %dma_start3A_42 = arith.constant 0 : i32
    %dma_start3A_43 = tpu.memref_slice %arg8[%dma_start3A_41, %dma_start3A_42] : memref<128x128xf32, #tpu.memory_space<vmem>> -> memref<16x128xf32, #tpu.memory_space<vmem>>
    %dma_start3A_44 = arith.constant 144 : i32
    %dma_start3A_45 = tpu.memref_slice %arg6[%dma_start3A_44] : memref<384xi32, #tpu.memory_space<vmem>> -> memref<16xi32, #tpu.memory_space<vmem>>
    %dma_start3A_46 = arith.constant 0 : i32
    %dma_start3A_47 = arith.constant 0 : i32
    %dma_start3A_48 = tpu.memref_slice %arg3[%dma_start3A_46, %dma_start3A_47] : memref<1000x128xf32, #tpu.memory_space<hbm>> -> memref<1000x128xf32, #tpu.memory_space<hbm>>
    tpu.enqueue_indirect_dma source(%dma_start3A_48 : memref<1000x128xf32, #tpu.memory_space<hbm>>) target(%dma_start3A_43 : memref<16x128xf32, #tpu.memory_space<vmem>>) offsets(%dma_start3A_45 : memref<16xi32, #tpu.memory_space<vmem>>) semaphore(%arg14 : memref<!tpu.dma_semaphore, #tpu.memory_space<semaphore_mem>>)
    %dma_start3A_49 = arith.constant 16 : i32
    %dma_start3A_50 = arith.constant 0 : i32
    %dma_start3A_51 = tpu.memref_slice %arg9[%dma_start3A_49, %dma_start3A_50] : memref<128x128xf32, #tpu.memory_space<vmem>> -> memref<16x128xf32, #tpu.memory_space<vmem>>
    %dma_start3A_52 = arith.constant 272 : i32
    %dma_start3A_53 = tpu.memref_slice %arg6[%dma_start3A_52] : memref<384xi32, #tpu.memory_space<vmem>> -> memref<16xi32, #tpu.memory_space<vmem>>
    %dma_start3A_54 = arith.constant 0 : i32
    %dma_start3A_55 = arith.constant 0 : i32
    %dma_start3A_56 = tpu.memref_slice %arg2[%dma_start3A_54, %dma_start3A_55] : memref<100000x128xf32, #tpu.memory_space<hbm>> -> memref<100000x128xf32, #tpu.memory_space<hbm>>
    tpu.enqueue_indirect_dma source(%dma_start3A_56 : memref<100000x128xf32, #tpu.memory_space<hbm>>) target(%dma_start3A_51 : memref<16x128xf32, #tpu.memory_space<vmem>>) offsets(%dma_start3A_53 : memref<16xi32, #tpu.memory_space<vmem>>) semaphore(%arg14 : memref<!tpu.dma_semaphore, #tpu.memory_space<semaphore_mem>>)
    %dma_start3A_57 = arith.constant 32 : i32
    %dma_start3A_58 = arith.constant 0 : i32
    %dma_start3A_59 = tpu.memref_slice %arg7[%dma_start3A_57, %dma_start3A_58] : memref<128x128xf32, #tpu.memory_space<vmem>> -> memref<16x128xf32, #tpu.memory_space<vmem>>
    %dma_start3A_60 = arith.constant 32 : i32
    %dma_start3A_61 = tpu.memref_slice %arg6[%dma_start3A_60] : memref<384xi32, #tpu.memory_space<vmem>> -> memref<16xi32, #tpu.memory_space<vmem>>
    %dma_start3A_62 = arith.constant 0 : i32
    %dma_start3A_63 = arith.constant 0 : i32
    %dma_start3A_64 = tpu.memref_slice %arg2[%dma_start3A_62, %dma_start3A_63] : memref<100000x128xf32, #tpu.memory_space<hbm>> -> memref<100000x128xf32, #tpu.memory_space<hbm>>
    tpu.enqueue_indirect_dma source(%dma_start3A_64 : memref<100000x128xf32, #tpu.memory_space<hbm>>) target(%dma_start3A_59 : memref<16x128xf32, #tpu.memory_space<vmem>>) offsets(%dma_start3A_61 : memref<16xi32, #tpu.memory_space<vmem>>) semaphore(%arg15 : memref<!tpu.dma_semaphore, #tpu.memory_space<semaphore_mem>>)
    %dma_start3A_65 = arith.constant 32 : i32
    %dma_start3A_66 = arith.constant 0 : i32
    %dma_start3A_67 = tpu.memref_slice %arg8[%dma_start3A_65, %dma_start3A_66] : memref<128x128xf32, #tpu.memory_space<vmem>> -> memref<16x128xf32, #tpu.memory_space<vmem>>
    %dma_start3A_68 = arith.constant 160 : i32
    %dma_start3A_69 = tpu.memref_slice %arg6[%dma_start3A_68] : memref<384xi32, #tpu.memory_space<vmem>> -> memref<16xi32, #tpu.memory_space<vmem>>
    %dma_start3A_70 = arith.constant 0 : i32
    %dma_start3A_71 = arith.constant 0 : i32
    %dma_start3A_72 = tpu.memref_slice %arg3[%dma_start3A_70, %dma_start3A_71] : memref<1000x128xf32, #tpu.memory_space<hbm>> -> memref<1000x128xf32, #tpu.memory_space<hbm>>
    tpu.enqueue_indirect_dma source(%dma_start3A_72 : memref<1000x128xf32, #tpu.memory_space<hbm>>) target(%dma_start3A_67 : memref<16x128xf32, #tpu.memory_space<vmem>>) offsets(%dma_start3A_69 : memref<16xi32, #tpu.memory_space<vmem>>) semaphore(%arg15 : memref<!tpu.dma_semaphore, #tpu.memory_space<semaphore_mem>>)
    %dma_start3A_73 = arith.constant 32 : i32
    %dma_start3A_74 = arith.constant 0 : i32
    %dma_start3A_75 = tpu.memref_slice %arg9[%dma_start3A_73, %dma_start3A_74] : memref<128x128xf32, #tpu.memory_space<vmem>> -> memref<16x128xf32, #tpu.memory_space<vmem>>
    %dma_start3A_76 = arith.constant 288 : i32
    %dma_start3A_77 = tpu.memref_slice %arg6[%dma_start3A_76] : memref<384xi32, #tpu.memory_space<vmem>> -> memref<16xi32, #tpu.memory_space<vmem>>
    %dma_start3A_78 = arith.constant 0 : i32
    %dma_start3A_79 = arith.constant 0 : i32
    %dma_start3A_80 = tpu.memref_slice %arg2[%dma_start3A_78, %dma_start3A_79] : memref<100000x128xf32, #tpu.memory_space<hbm>> -> memref<100000x128xf32, #tpu.memory_space<hbm>>
    tpu.enqueue_indirect_dma source(%dma_start3A_80 : memref<100000x128xf32, #tpu.memory_space<hbm>>) target(%dma_start3A_75 : memref<16x128xf32, #tpu.memory_space<vmem>>) offsets(%dma_start3A_77 : memref<16xi32, #tpu.memory_space<vmem>>) semaphore(%arg15 : memref<!tpu.dma_semaphore, #tpu.memory_space<semaphore_mem>>)
    %iota3A = tpu.iota {dimensions = array<i32: 0>} : vector<16xi32>
    %scan3A = arith.constant 0 : i32
    %scan3A_81 = arith.constant 0 : i32
    %scan3A_82 = arith.constant 8 : i32
    %scan3A_83 = arith.addi %scan3A_81, %scan3A_82 : i32
    %scan3A_84 = arith.constant 1 : i32
    scf.for %scan3A_86 = %scan3A_81 to %scan3A_83 step %scan3A_84  : i32 {
      %jit3A = arith.constant 3 : i32
      %eq3A = arith.constant 0 : i32
      %eq3A_87 = arith.cmpi eq, %jit3A, %eq3A : i32
      %jit3A_88 = arith.constant 1 : i32
      %select_n3A = arith.select %eq3A_87, %jit3A_88, %jit3A : i32
      %rem3A = arith.remsi %scan3A_86, %select_n3A : i32
      %ne3A = arith.constant 0 : i32
      %ne3A_89 = arith.cmpi ne, %rem3A, %ne3A : i32
      %lt3A = arith.constant 0 : i32
      %lt3A_90 = arith.cmpi slt, %rem3A, %lt3A : i32
      %lt3A_91 = arith.constant 0 : i32
      %lt3A_92 = arith.cmpi slt, %select_n3A, %lt3A_91 : i32
      %ne3A_93 = arith.xori %lt3A_90, %lt3A_92 : i1
      %and3A = arith.andi %ne3A_93, %ne3A_89 : i1
      %add3A_94 = arith.addi %rem3A, %select_n3A : i32
      %select_n3A_95 = arith.select %and3A, %add3A_94, %rem3A : i32
      %eq3A_96 = arith.constant 0 : i32
      %eq3A_97 = arith.cmpi eq, %select_n3A_95, %eq3A_96 : i32
      %convert_element_type3A = arith.extui %eq3A_97 : i1 to i32
      %cond3A = arith.constant 0 : i32
      %cond3A_98 = arith.cmpi ne, %convert_element_type3A, %cond3A : i32
      scf.if %cond3A_98 {
        %mul3A_236 = arith.constant 16 : i32
        %mul3A_237 = arith.muli %scan3A_86, %mul3A_236 : i32
        %mul3A_238 = arith.constant 16 : i32
        %mul3A_239 = arith.muli %scan3A_86, %mul3A_238 : i32
        %mul3A_240 = arith.constant 16 : i32
        %mul3A_241 = arith.muli %scan3A_86, %mul3A_240 : i32
        %add3A_242 = arith.constant 128 : i32
        %add3A_243 = arith.addi %add3A_242, %mul3A_241 : i32
        %mul3A_244 = arith.constant 16 : i32
        %mul3A_245 = arith.muli %scan3A_86, %mul3A_244 : i32
        %add3A_246 = arith.constant 256 : i32
        %add3A_247 = arith.addi %add3A_246, %mul3A_245 : i32
        %dma_wait3A_248 = arith.constant 0 : i32
        %dma_wait3A_249 = tpu.memref_slice %arg7[%mul3A_237, %dma_wait3A_248] : memref<128x128xf32, #tpu.memory_space<vmem>> -> memref<16x128xf32, #tpu.memory_space<vmem>>
        %dma_wait3A_250 = tpu.memref_slice %arg6[%mul3A_239] : memref<384xi32, #tpu.memory_space<vmem>> -> memref<16xi32, #tpu.memory_space<vmem>>
        %dma_wait3A_251 = arith.constant 0 : i32
        %dma_wait3A_252 = arith.constant 0 : i32
        %dma_wait3A_253 = tpu.memref_slice %arg2[%dma_wait3A_251, %dma_wait3A_252] : memref<100000x128xf32, #tpu.memory_space<hbm>> -> memref<100000x128xf32, #tpu.memory_space<hbm>>
        tpu.wait_indirect_dma semaphore(%arg13 : memref<!tpu.dma_semaphore, #tpu.memory_space<semaphore_mem>>) src(%dma_wait3A_253 : memref<100000x128xf32, #tpu.memory_space<hbm>>) dst(%dma_wait3A_249 : memref<16x128xf32, #tpu.memory_space<vmem>>)
        %dma_wait3A_254 = arith.constant 0 : i32
        %dma_wait3A_255 = tpu.memref_slice %arg8[%mul3A_237, %dma_wait3A_254] : memref<128x128xf32, #tpu.memory_space<vmem>> -> memref<16x128xf32, #tpu.memory_space<vmem>>
        %dma_wait3A_256 = tpu.memref_slice %arg6[%add3A_243] : memref<384xi32, #tpu.memory_space<vmem>> -> memref<16xi32, #tpu.memory_space<vmem>>
        %dma_wait3A_257 = arith.constant 0 : i32
        %dma_wait3A_258 = arith.constant 0 : i32
        %dma_wait3A_259 = tpu.memref_slice %arg3[%dma_wait3A_257, %dma_wait3A_258] : memref<1000x128xf32, #tpu.memory_space<hbm>> -> memref<1000x128xf32, #tpu.memory_space<hbm>>
        tpu.wait_indirect_dma semaphore(%arg13 : memref<!tpu.dma_semaphore, #tpu.memory_space<semaphore_mem>>) src(%dma_wait3A_259 : memref<1000x128xf32, #tpu.memory_space<hbm>>) dst(%dma_wait3A_255 : memref<16x128xf32, #tpu.memory_space<vmem>>)
        %dma_wait3A_260 = arith.constant 0 : i32
        %dma_wait3A_261 = tpu.memref_slice %arg9[%mul3A_237, %dma_wait3A_260] : memref<128x128xf32, #tpu.memory_space<vmem>> -> memref<16x128xf32, #tpu.memory_space<vmem>>
        %dma_wait3A_262 = tpu.memref_slice %arg6[%add3A_247] : memref<384xi32, #tpu.memory_space<vmem>> -> memref<16xi32, #tpu.memory_space<vmem>>
        %dma_wait3A_263 = arith.constant 0 : i32
        %dma_wait3A_264 = arith.constant 0 : i32
        %dma_wait3A_265 = tpu.memref_slice %arg2[%dma_wait3A_263, %dma_wait3A_264] : memref<100000x128xf32, #tpu.memory_space<hbm>> -> memref<100000x128xf32, #tpu.memory_space<hbm>>
        tpu.wait_indirect_dma semaphore(%arg13 : memref<!tpu.dma_semaphore, #tpu.memory_space<semaphore_mem>>) src(%dma_wait3A_265 : memref<100000x128xf32, #tpu.memory_space<hbm>>) dst(%dma_wait3A_261 : memref<16x128xf32, #tpu.memory_space<vmem>>)
      } else {
      }
      %eq3A_99 = arith.constant 1 : i32
      %eq3A_100 = arith.cmpi eq, %select_n3A_95, %eq3A_99 : i32
      %convert_element_type3A_101 = arith.extui %eq3A_100 : i1 to i32
      %cond3A_102 = arith.constant 0 : i32
      %cond3A_103 = arith.cmpi ne, %convert_element_type3A_101, %cond3A_102 : i32
      scf.if %cond3A_103 {
        %mul3A_236 = arith.constant 16 : i32
        %mul3A_237 = arith.muli %scan3A_86, %mul3A_236 : i32
        %mul3A_238 = arith.constant 16 : i32
        %mul3A_239 = arith.muli %scan3A_86, %mul3A_238 : i32
        %mul3A_240 = arith.constant 16 : i32
        %mul3A_241 = arith.muli %scan3A_86, %mul3A_240 : i32
        %add3A_242 = arith.constant 128 : i32
        %add3A_243 = arith.addi %add3A_242, %mul3A_241 : i32
        %mul3A_244 = arith.constant 16 : i32
        %mul3A_245 = arith.muli %scan3A_86, %mul3A_244 : i32
        %add3A_246 = arith.constant 256 : i32
        %add3A_247 = arith.addi %add3A_246, %mul3A_245 : i32
        %dma_wait3A_248 = arith.constant 0 : i32
        %dma_wait3A_249 = tpu.memref_slice %arg7[%mul3A_237, %dma_wait3A_248] : memref<128x128xf32, #tpu.memory_space<vmem>> -> memref<16x128xf32, #tpu.memory_space<vmem>>
        %dma_wait3A_250 = tpu.memref_slice %arg6[%mul3A_239] : memref<384xi32, #tpu.memory_space<vmem>> -> memref<16xi32, #tpu.memory_space<vmem>>
        %dma_wait3A_251 = arith.constant 0 : i32
        %dma_wait3A_252 = arith.constant 0 : i32
        %dma_wait3A_253 = tpu.memref_slice %arg2[%dma_wait3A_251, %dma_wait3A_252] : memref<100000x128xf32, #tpu.memory_space<hbm>> -> memref<100000x128xf32, #tpu.memory_space<hbm>>
        tpu.wait_indirect_dma semaphore(%arg14 : memref<!tpu.dma_semaphore, #tpu.memory_space<semaphore_mem>>) src(%dma_wait3A_253 : memref<100000x128xf32, #tpu.memory_space<hbm>>) dst(%dma_wait3A_249 : memref<16x128xf32, #tpu.memory_space<vmem>>)
        %dma_wait3A_254 = arith.constant 0 : i32
        %dma_wait3A_255 = tpu.memref_slice %arg8[%mul3A_237, %dma_wait3A_254] : memref<128x128xf32, #tpu.memory_space<vmem>> -> memref<16x128xf32, #tpu.memory_space<vmem>>
        %dma_wait3A_256 = tpu.memref_slice %arg6[%add3A_243] : memref<384xi32, #tpu.memory_space<vmem>> -> memref<16xi32, #tpu.memory_space<vmem>>
        %dma_wait3A_257 = arith.constant 0 : i32
        %dma_wait3A_258 = arith.constant 0 : i32
        %dma_wait3A_259 = tpu.memref_slice %arg3[%dma_wait3A_257, %dma_wait3A_258] : memref<1000x128xf32, #tpu.memory_space<hbm>> -> memref<1000x128xf32, #tpu.memory_space<hbm>>
        tpu.wait_indirect_dma semaphore(%arg14 : memref<!tpu.dma_semaphore, #tpu.memory_space<semaphore_mem>>) src(%dma_wait3A_259 : memref<1000x128xf32, #tpu.memory_space<hbm>>) dst(%dma_wait3A_255 : memref<16x128xf32, #tpu.memory_space<vmem>>)
        %dma_wait3A_260 = arith.constant 0 : i32
        %dma_wait3A_261 = tpu.memref_slice %arg9[%mul3A_237, %dma_wait3A_260] : memref<128x128xf32, #tpu.memory_space<vmem>> -> memref<16x128xf32, #tpu.memory_space<vmem>>
        %dma_wait3A_262 = tpu.memref_slice %arg6[%add3A_247] : memref<384xi32, #tpu.memory_space<vmem>> -> memref<16xi32, #tpu.memory_space<vmem>>
        %dma_wait3A_263 = arith.constant 0 : i32
        %dma_wait3A_264 = arith.constant 0 : i32
        %dma_wait3A_265 = tpu.memref_slice %arg2[%dma_wait3A_263, %dma_wait3A_264] : memref<100000x128xf32, #tpu.memory_space<hbm>> -> memref<100000x128xf32, #tpu.memory_space<hbm>>
        tpu.wait_indirect_dma semaphore(%arg14 : memref<!tpu.dma_semaphore, #tpu.memory_space<semaphore_mem>>) src(%dma_wait3A_265 : memref<100000x128xf32, #tpu.memory_space<hbm>>) dst(%dma_wait3A_261 : memref<16x128xf32, #tpu.memory_space<vmem>>)
      } else {
      }
      %eq3A_104 = arith.constant 2 : i32
      %eq3A_105 = arith.cmpi eq, %select_n3A_95, %eq3A_104 : i32
      %convert_element_type3A_106 = arith.extui %eq3A_105 : i1 to i32
      %cond3A_107 = arith.constant 0 : i32
      %cond3A_108 = arith.cmpi ne, %convert_element_type3A_106, %cond3A_107 : i32
      scf.if %cond3A_108 {
        %mul3A_236 = arith.constant 16 : i32
        %mul3A_237 = arith.muli %scan3A_86, %mul3A_236 : i32
        %mul3A_238 = arith.constant 16 : i32
        %mul3A_239 = arith.muli %scan3A_86, %mul3A_238 : i32
        %mul3A_240 = arith.constant 16 : i32
        %mul3A_241 = arith.muli %scan3A_86, %mul3A_240 : i32
        %add3A_242 = arith.constant 128 : i32
        %add3A_243 = arith.addi %add3A_242, %mul3A_241 : i32
        %mul3A_244 = arith.constant 16 : i32
        %mul3A_245 = arith.muli %scan3A_86, %mul3A_244 : i32
        %add3A_246 = arith.constant 256 : i32
        %add3A_247 = arith.addi %add3A_246, %mul3A_245 : i32
        %dma_wait3A_248 = arith.constant 0 : i32
        %dma_wait3A_249 = tpu.memref_slice %arg7[%mul3A_237, %dma_wait3A_248] : memref<128x128xf32, #tpu.memory_space<vmem>> -> memref<16x128xf32, #tpu.memory_space<vmem>>
        %dma_wait3A_250 = tpu.memref_slice %arg6[%mul3A_239] : memref<384xi32, #tpu.memory_space<vmem>> -> memref<16xi32, #tpu.memory_space<vmem>>
        %dma_wait3A_251 = arith.constant 0 : i32
        %dma_wait3A_252 = arith.constant 0 : i32
        %dma_wait3A_253 = tpu.memref_slice %arg2[%dma_wait3A_251, %dma_wait3A_252] : memref<100000x128xf32, #tpu.memory_space<hbm>> -> memref<100000x128xf32, #tpu.memory_space<hbm>>
        tpu.wait_indirect_dma semaphore(%arg15 : memref<!tpu.dma_semaphore, #tpu.memory_space<semaphore_mem>>) src(%dma_wait3A_253 : memref<100000x128xf32, #tpu.memory_space<hbm>>) dst(%dma_wait3A_249 : memref<16x128xf32, #tpu.memory_space<vmem>>)
        %dma_wait3A_254 = arith.constant 0 : i32
        %dma_wait3A_255 = tpu.memref_slice %arg8[%mul3A_237, %dma_wait3A_254] : memref<128x128xf32, #tpu.memory_space<vmem>> -> memref<16x128xf32, #tpu.memory_space<vmem>>
        %dma_wait3A_256 = tpu.memref_slice %arg6[%add3A_243] : memref<384xi32, #tpu.memory_space<vmem>> -> memref<16xi32, #tpu.memory_space<vmem>>
        %dma_wait3A_257 = arith.constant 0 : i32
        %dma_wait3A_258 = arith.constant 0 : i32
        %dma_wait3A_259 = tpu.memref_slice %arg3[%dma_wait3A_257, %dma_wait3A_258] : memref<1000x128xf32, #tpu.memory_space<hbm>> -> memref<1000x128xf32, #tpu.memory_space<hbm>>
        tpu.wait_indirect_dma semaphore(%arg15 : memref<!tpu.dma_semaphore, #tpu.memory_space<semaphore_mem>>) src(%dma_wait3A_259 : memref<1000x128xf32, #tpu.memory_space<hbm>>) dst(%dma_wait3A_255 : memref<16x128xf32, #tpu.memory_space<vmem>>)
        %dma_wait3A_260 = arith.constant 0 : i32
        %dma_wait3A_261 = tpu.memref_slice %arg9[%mul3A_237, %dma_wait3A_260] : memref<128x128xf32, #tpu.memory_space<vmem>> -> memref<16x128xf32, #tpu.memory_space<vmem>>
        %dma_wait3A_262 = tpu.memref_slice %arg6[%add3A_247] : memref<384xi32, #tpu.memory_space<vmem>> -> memref<16xi32, #tpu.memory_space<vmem>>
        %dma_wait3A_263 = arith.constant 0 : i32
        %dma_wait3A_264 = arith.constant 0 : i32
        %dma_wait3A_265 = tpu.memref_slice %arg2[%dma_wait3A_263, %dma_wait3A_264] : memref<100000x128xf32, #tpu.memory_space<hbm>> -> memref<100000x128xf32, #tpu.memory_space<hbm>>
        tpu.wait_indirect_dma semaphore(%arg15 : memref<!tpu.dma_semaphore, #tpu.memory_space<semaphore_mem>>) src(%dma_wait3A_265 : memref<100000x128xf32, #tpu.memory_space<hbm>>) dst(%dma_wait3A_261 : memref<16x128xf32, #tpu.memory_space<vmem>>)
      } else {
      }
      %eq3A_109 = arith.constant 0 : i32
      %eq3A_110 = arith.cmpi eq, %select_n3A_95, %eq3A_109 : i32
      %lt3A_111 = arith.constant 5 : i32
      %lt3A_112 = arith.cmpi slt, %scan3A_86, %lt3A_111 : i32
      %and3A_113 = arith.andi %eq3A_110, %lt3A_112 : i1
      %convert_element_type3A_114 = arith.extui %and3A_113 : i1 to i32
      %cond3A_115 = arith.constant 0 : i32
      %cond3A_116 = arith.cmpi ne, %convert_element_type3A_114, %cond3A_115 : i32
      scf.if %cond3A_116 {
        %add3A_236 = arith.constant 3 : i32
        %add3A_237 = arith.addi %scan3A_86, %add3A_236 : i32
        %mul3A_238 = arith.constant 16 : i32
        %mul3A_239 = arith.muli %add3A_237, %mul3A_238 : i32
        %mul3A_240 = arith.constant 16 : i32
        %mul3A_241 = arith.muli %add3A_237, %mul3A_240 : i32
        %mul3A_242 = arith.constant 16 : i32
        %mul3A_243 = arith.muli %add3A_237, %mul3A_242 : i32
        %add3A_244 = arith.constant 128 : i32
        %add3A_245 = arith.addi %add3A_244, %mul3A_243 : i32
        %mul3A_246 = arith.constant 16 : i32
        %mul3A_247 = arith.muli %add3A_237, %mul3A_246 : i32
        %add3A_248 = arith.constant 256 : i32
        %add3A_249 = arith.addi %add3A_248, %mul3A_247 : i32
        %dma_start3A_250 = arith.constant 0 : i32
        %dma_start3A_251 = tpu.memref_slice %arg7[%mul3A_239, %dma_start3A_250] : memref<128x128xf32, #tpu.memory_space<vmem>> -> memref<16x128xf32, #tpu.memory_space<vmem>>
        %dma_start3A_252 = tpu.memref_slice %arg6[%mul3A_241] : memref<384xi32, #tpu.memory_space<vmem>> -> memref<16xi32, #tpu.memory_space<vmem>>
        %dma_start3A_253 = arith.constant 0 : i32
        %dma_start3A_254 = arith.constant 0 : i32
        %dma_start3A_255 = tpu.memref_slice %arg2[%dma_start3A_253, %dma_start3A_254] : memref<100000x128xf32, #tpu.memory_space<hbm>> -> memref<100000x128xf32, #tpu.memory_space<hbm>>
        tpu.enqueue_indirect_dma source(%dma_start3A_255 : memref<100000x128xf32, #tpu.memory_space<hbm>>) target(%dma_start3A_251 : memref<16x128xf32, #tpu.memory_space<vmem>>) offsets(%dma_start3A_252 : memref<16xi32, #tpu.memory_space<vmem>>) semaphore(%arg13 : memref<!tpu.dma_semaphore, #tpu.memory_space<semaphore_mem>>)
        %dma_start3A_256 = arith.constant 0 : i32
        %dma_start3A_257 = tpu.memref_slice %arg8[%mul3A_239, %dma_start3A_256] : memref<128x128xf32, #tpu.memory_space<vmem>> -> memref<16x128xf32, #tpu.memory_space<vmem>>
        %dma_start3A_258 = tpu.memref_slice %arg6[%add3A_245] : memref<384xi32, #tpu.memory_space<vmem>> -> memref<16xi32, #tpu.memory_space<vmem>>
        %dma_start3A_259 = arith.constant 0 : i32
        %dma_start3A_260 = arith.constant 0 : i32
        %dma_start3A_261 = tpu.memref_slice %arg3[%dma_start3A_259, %dma_start3A_260] : memref<1000x128xf32, #tpu.memory_space<hbm>> -> memref<1000x128xf32, #tpu.memory_space<hbm>>
        tpu.enqueue_indirect_dma source(%dma_start3A_261 : memref<1000x128xf32, #tpu.memory_space<hbm>>) target(%dma_start3A_257 : memref<16x128xf32, #tpu.memory_space<vmem>>) offsets(%dma_start3A_258 : memref<16xi32, #tpu.memory_space<vmem>>) semaphore(%arg13 : memref<!tpu.dma_semaphore, #tpu.memory_space<semaphore_mem>>)
        %dma_start3A_262 = arith.constant 0 : i32
        %dma_start3A_263 = tpu.memref_slice %arg9[%mul3A_239, %dma_start3A_262] : memref<128x128xf32, #tpu.memory_space<vmem>> -> memref<16x128xf32, #tpu.memory_space<vmem>>
        %dma_start3A_264 = tpu.memref_slice %arg6[%add3A_249] : memref<384xi32, #tpu.memory_space<vmem>> -> memref<16xi32, #tpu.memory_space<vmem>>
        %dma_start3A_265 = arith.constant 0 : i32
        %dma_start3A_266 = arith.constant 0 : i32
        %dma_start3A_267 = tpu.memref_slice %arg2[%dma_start3A_265, %dma_start3A_266] : memref<100000x128xf32, #tpu.memory_space<hbm>> -> memref<100000x128xf32, #tpu.memory_space<hbm>>
        tpu.enqueue_indirect_dma source(%dma_start3A_267 : memref<100000x128xf32, #tpu.memory_space<hbm>>) target(%dma_start3A_263 : memref<16x128xf32, #tpu.memory_space<vmem>>) offsets(%dma_start3A_264 : memref<16xi32, #tpu.memory_space<vmem>>) semaphore(%arg13 : memref<!tpu.dma_semaphore, #tpu.memory_space<semaphore_mem>>)
      } else {
      }
      %eq3A_117 = arith.constant 1 : i32
      %eq3A_118 = arith.cmpi eq, %select_n3A_95, %eq3A_117 : i32
      %lt3A_119 = arith.constant 5 : i32
      %lt3A_120 = arith.cmpi slt, %scan3A_86, %lt3A_119 : i32
      %and3A_121 = arith.andi %eq3A_118, %lt3A_120 : i1
      %convert_element_type3A_122 = arith.extui %and3A_121 : i1 to i32
      %cond3A_123 = arith.constant 0 : i32
      %cond3A_124 = arith.cmpi ne, %convert_element_type3A_122, %cond3A_123 : i32
      scf.if %cond3A_124 {
        %add3A_236 = arith.constant 3 : i32
        %add3A_237 = arith.addi %scan3A_86, %add3A_236 : i32
        %mul3A_238 = arith.constant 16 : i32
        %mul3A_239 = arith.muli %add3A_237, %mul3A_238 : i32
        %mul3A_240 = arith.constant 16 : i32
        %mul3A_241 = arith.muli %add3A_237, %mul3A_240 : i32
        %mul3A_242 = arith.constant 16 : i32
        %mul3A_243 = arith.muli %add3A_237, %mul3A_242 : i32
        %add3A_244 = arith.constant 128 : i32
        %add3A_245 = arith.addi %add3A_244, %mul3A_243 : i32
        %mul3A_246 = arith.constant 16 : i32
        %mul3A_247 = arith.muli %add3A_237, %mul3A_246 : i32
        %add3A_248 = arith.constant 256 : i32
        %add3A_249 = arith.addi %add3A_248, %mul3A_247 : i32
        %dma_start3A_250 = arith.constant 0 : i32
        %dma_start3A_251 = tpu.memref_slice %arg7[%mul3A_239, %dma_start3A_250] : memref<128x128xf32, #tpu.memory_space<vmem>> -> memref<16x128xf32, #tpu.memory_space<vmem>>
        %dma_start3A_252 = tpu.memref_slice %arg6[%mul3A_241] : memref<384xi32, #tpu.memory_space<vmem>> -> memref<16xi32, #tpu.memory_space<vmem>>
        %dma_start3A_253 = arith.constant 0 : i32
        %dma_start3A_254 = arith.constant 0 : i32
        %dma_start3A_255 = tpu.memref_slice %arg2[%dma_start3A_253, %dma_start3A_254] : memref<100000x128xf32, #tpu.memory_space<hbm>> -> memref<100000x128xf32, #tpu.memory_space<hbm>>
        tpu.enqueue_indirect_dma source(%dma_start3A_255 : memref<100000x128xf32, #tpu.memory_space<hbm>>) target(%dma_start3A_251 : memref<16x128xf32, #tpu.memory_space<vmem>>) offsets(%dma_start3A_252 : memref<16xi32, #tpu.memory_space<vmem>>) semaphore(%arg14 : memref<!tpu.dma_semaphore, #tpu.memory_space<semaphore_mem>>)
        %dma_start3A_256 = arith.constant 0 : i32
        %dma_start3A_257 = tpu.memref_slice %arg8[%mul3A_239, %dma_start3A_256] : memref<128x128xf32, #tpu.memory_space<vmem>> -> memref<16x128xf32, #tpu.memory_space<vmem>>
        %dma_start3A_258 = tpu.memref_slice %arg6[%add3A_245] : memref<384xi32, #tpu.memory_space<vmem>> -> memref<16xi32, #tpu.memory_space<vmem>>
        %dma_start3A_259 = arith.constant 0 : i32
        %dma_start3A_260 = arith.constant 0 : i32
        %dma_start3A_261 = tpu.memref_slice %arg3[%dma_start3A_259, %dma_start3A_260] : memref<1000x128xf32, #tpu.memory_space<hbm>> -> memref<1000x128xf32, #tpu.memory_space<hbm>>
        tpu.enqueue_indirect_dma source(%dma_start3A_261 : memref<1000x128xf32, #tpu.memory_space<hbm>>) target(%dma_start3A_257 : memref<16x128xf32, #tpu.memory_space<vmem>>) offsets(%dma_start3A_258 : memref<16xi32, #tpu.memory_space<vmem>>) semaphore(%arg14 : memref<!tpu.dma_semaphore, #tpu.memory_space<semaphore_mem>>)
        %dma_start3A_262 = arith.constant 0 : i32
        %dma_start3A_263 = tpu.memref_slice %arg9[%mul3A_239, %dma_start3A_262] : memref<128x128xf32, #tpu.memory_space<vmem>> -> memref<16x128xf32, #tpu.memory_space<vmem>>
        %dma_start3A_264 = tpu.memref_slice %arg6[%add3A_249] : memref<384xi32, #tpu.memory_space<vmem>> -> memref<16xi32, #tpu.memory_space<vmem>>
        %dma_start3A_265 = arith.constant 0 : i32
        %dma_start3A_266 = arith.constant 0 : i32
        %dma_start3A_267 = tpu.memref_slice %arg2[%dma_start3A_265, %dma_start3A_266] : memref<100000x128xf32, #tpu.memory_space<hbm>> -> memref<100000x128xf32, #tpu.memory_space<hbm>>
        tpu.enqueue_indirect_dma source(%dma_start3A_267 : memref<100000x128xf32, #tpu.memory_space<hbm>>) target(%dma_start3A_263 : memref<16x128xf32, #tpu.memory_space<vmem>>) offsets(%dma_start3A_264 : memref<16xi32, #tpu.memory_space<vmem>>) semaphore(%arg14 : memref<!tpu.dma_semaphore, #tpu.memory_space<semaphore_mem>>)
      } else {
      }
      %eq3A_125 = arith.constant 2 : i32
      %eq3A_126 = arith.cmpi eq, %select_n3A_95, %eq3A_125 : i32
      %lt3A_127 = arith.constant 5 : i32
      %lt3A_128 = arith.cmpi slt, %scan3A_86, %lt3A_127 : i32
      %and3A_129 = arith.andi %eq3A_126, %lt3A_128 : i1
      %convert_element_type3A_130 = arith.extui %and3A_129 : i1 to i32
      %cond3A_131 = arith.constant 0 : i32
      %cond3A_132 = arith.cmpi ne, %convert_element_type3A_130, %cond3A_131 : i32
      scf.if %cond3A_132 {
        %add3A_236 = arith.constant 3 : i32
        %add3A_237 = arith.addi %scan3A_86, %add3A_236 : i32
        %mul3A_238 = arith.constant 16 : i32
        %mul3A_239 = arith.muli %add3A_237, %mul3A_238 : i32
        %mul3A_240 = arith.constant 16 : i32
        %mul3A_241 = arith.muli %add3A_237, %mul3A_240 : i32
        %mul3A_242 = arith.constant 16 : i32
        %mul3A_243 = arith.muli %add3A_237, %mul3A_242 : i32
        %add3A_244 = arith.constant 128 : i32
        %add3A_245 = arith.addi %add3A_244, %mul3A_243 : i32
        %mul3A_246 = arith.constant 16 : i32
        %mul3A_247 = arith.muli %add3A_237, %mul3A_246 : i32
        %add3A_248 = arith.constant 256 : i32
        %add3A_249 = arith.addi %add3A_248, %mul3A_247 : i32
        %dma_start3A_250 = arith.constant 0 : i32
        %dma_start3A_251 = tpu.memref_slice %arg7[%mul3A_239, %dma_start3A_250] : memref<128x128xf32, #tpu.memory_space<vmem>> -> memref<16x128xf32, #tpu.memory_space<vmem>>
        %dma_start3A_252 = tpu.memref_slice %arg6[%mul3A_241] : memref<384xi32, #tpu.memory_space<vmem>> -> memref<16xi32, #tpu.memory_space<vmem>>
        %dma_start3A_253 = arith.constant 0 : i32
        %dma_start3A_254 = arith.constant 0 : i32
        %dma_start3A_255 = tpu.memref_slice %arg2[%dma_start3A_253, %dma_start3A_254] : memref<100000x128xf32, #tpu.memory_space<hbm>> -> memref<100000x128xf32, #tpu.memory_space<hbm>>
        tpu.enqueue_indirect_dma source(%dma_start3A_255 : memref<100000x128xf32, #tpu.memory_space<hbm>>) target(%dma_start3A_251 : memref<16x128xf32, #tpu.memory_space<vmem>>) offsets(%dma_start3A_252 : memref<16xi32, #tpu.memory_space<vmem>>) semaphore(%arg15 : memref<!tpu.dma_semaphore, #tpu.memory_space<semaphore_mem>>)
        %dma_start3A_256 = arith.constant 0 : i32
        %dma_start3A_257 = tpu.memref_slice %arg8[%mul3A_239, %dma_start3A_256] : memref<128x128xf32, #tpu.memory_space<vmem>> -> memref<16x128xf32, #tpu.memory_space<vmem>>
        %dma_start3A_258 = tpu.memref_slice %arg6[%add3A_245] : memref<384xi32, #tpu.memory_space<vmem>> -> memref<16xi32, #tpu.memory_space<vmem>>
        %dma_start3A_259 = arith.constant 0 : i32
        %dma_start3A_260 = arith.constant 0 : i32
        %dma_start3A_261 = tpu.memref_slice %arg3[%dma_start3A_259, %dma_start3A_260] : memref<1000x128xf32, #tpu.memory_space<hbm>> -> memref<1000x128xf32, #tpu.memory_space<hbm>>
        tpu.enqueue_indirect_dma source(%dma_start3A_261 : memref<1000x128xf32, #tpu.memory_space<hbm>>) target(%dma_start3A_257 : memref<16x128xf32, #tpu.memory_space<vmem>>) offsets(%dma_start3A_258 : memref<16xi32, #tpu.memory_space<vmem>>) semaphore(%arg15 : memref<!tpu.dma_semaphore, #tpu.memory_space<semaphore_mem>>)
        %dma_start3A_262 = arith.constant 0 : i32
        %dma_start3A_263 = tpu.memref_slice %arg9[%mul3A_239, %dma_start3A_262] : memref<128x128xf32, #tpu.memory_space<vmem>> -> memref<16x128xf32, #tpu.memory_space<vmem>>
        %dma_start3A_264 = tpu.memref_slice %arg6[%add3A_249] : memref<384xi32, #tpu.memory_space<vmem>> -> memref<16xi32, #tpu.memory_space<vmem>>
        %dma_start3A_265 = arith.constant 0 : i32
        %dma_start3A_266 = arith.constant 0 : i32
        %dma_start3A_267 = tpu.memref_slice %arg2[%dma_start3A_265, %dma_start3A_266] : memref<100000x128xf32, #tpu.memory_space<hbm>> -> memref<100000x128xf32, #tpu.memory_space<hbm>>
        tpu.enqueue_indirect_dma source(%dma_start3A_267 : memref<100000x128xf32, #tpu.memory_space<hbm>>) target(%dma_start3A_263 : memref<16x128xf32, #tpu.memory_space<vmem>>) offsets(%dma_start3A_264 : memref<16xi32, #tpu.memory_space<vmem>>) semaphore(%arg15 : memref<!tpu.dma_semaphore, #tpu.memory_space<semaphore_mem>>)
      } else {
      }
      %scan3A_133 = arith.constant 0 : i32
      %scan3A_134 = arith.constant 0 : i32
      %scan3A_135 = arith.constant 16 : i32
      %scan3A_136 = arith.addi %scan3A_134, %scan3A_135 : i32
      %scan3A_137 = arith.constant 2 : i32
      scf.for %scan3A_236 = %scan3A_134 to %scan3A_136 step %scan3A_137  : i32 {
        %mul3A_237 = arith.constant 16 : i32
        %mul3A_238 = arith.muli %scan3A_86, %mul3A_237 : i32
        %add3A_239 = arith.addi %mul3A_238, %scan3A_236 : i32
        %broadcast_in_dim3A_240 = arith.constant 0.000000e+00 : f32
        %broadcast_in_dim3A_241 = vector.broadcast %broadcast_in_dim3A_240 : f32 to vector<16xf32>
        %broadcast_in_dim3A_242 = arith.constant 0.000000e+00 : f32
        %broadcast_in_dim3A_243 = vector.broadcast %broadcast_in_dim3A_242 : f32 to vector<16xf32>
        %get3A = arith.index_cast %add3A_239 : i32 to index
        %get3A_244 = arith.constant 0 : index
        %get3A_245 = tpu.vector_load %arg7[%get3A, %get3A_244] {strides = array<i32>} : memref<128x128xf32, #tpu.memory_space<vmem>>, vector<16xf32>,
        %get3A_246 = arith.index_cast %add3A_239 : i32 to index
        %get3A_247 = arith.constant 0 : index
        %get3A_248 = tpu.vector_load %arg8[%get3A_246, %get3A_247] {strides = array<i32>} : memref<128x128xf32, #tpu.memory_space<vmem>>, vector<16xf32>,
        %get3A_249 = arith.index_cast %add3A_239 : i32 to index
        %get3A_250 = arith.constant 0 : index
        %get3A_251 = tpu.vector_load %arg9[%get3A_249, %get3A_250] {strides = array<i32>} : memref<128x128xf32, #tpu.memory_space<vmem>>, vector<16xf32>,
        %add3A_252 = arith.addf %get3A_245, %get3A_248 : vector<16xf32>
        %sub3A_253 = arith.subf %add3A_252, %get3A_251 : vector<16xf32>
        %abs3A = math.absf %sub3A_253 : vector<16xf32>
        %add3A_254 = arith.addf %broadcast_in_dim3A_241, %abs3A : vector<16xf32>
        %get3A_255 = arith.index_cast %add3A_239 : i32 to index
        %get3A_256 = arith.constant 16 : index
        %get3A_257 = tpu.vector_load %arg7[%get3A_255, %get3A_256] {strides = array<i32>} : memref<128x128xf32, #tpu.memory_space<vmem>>, vector<16xf32>,
        %get3A_258 = arith.index_cast %add3A_239 : i32 to index
        %get3A_259 = arith.constant 16 : index
        %get3A_260 = tpu.vector_load %arg8[%get3A_258, %get3A_259] {strides = array<i32>} : memref<128x128xf32, #tpu.memory_space<vmem>>, vector<16xf32>,
        %get3A_261 = arith.index_cast %add3A_239 : i32 to index
        %get3A_262 = arith.constant 16 : index
        %get3A_263 = tpu.vector_load %arg9[%get3A_261, %get3A_262] {strides = array<i32>} : memref<128x128xf32, #tpu.memory_space<vmem>>, vector<16xf32>,
        %add3A_264 = arith.addf %get3A_257, %get3A_260 : vector<16xf32>
        %sub3A_265 = arith.subf %add3A_264, %get3A_263 : vector<16xf32>
        %abs3A_266 = math.absf %sub3A_265 : vector<16xf32>
        %add3A_267 = arith.addf %broadcast_in_dim3A_243, %abs3A_266 : vector<16xf32>
        %get3A_268 = arith.index_cast %add3A_239 : i32 to index
        %get3A_269 = arith.constant 32 : index
        %get3A_270 = tpu.vector_load %arg7[%get3A_268, %get3A_269] {strides = array<i32>} : memref<128x128xf32, #tpu.memory_space<vmem>>, vector<16xf32>,
        %get3A_271 = arith.index_cast %add3A_239 : i32 to index
        %get3A_272 = arith.constant 32 : index
        %get3A_273 = tpu.vector_load %arg8[%get3A_271, %get3A_272] {strides = array<i32>} : memref<128x128xf32, #tpu.memory_space<vmem>>, vector<16xf32>,
        %get3A_274 = arith.index_cast %add3A_239 : i32 to index
        %get3A_275 = arith.constant 32 : index
        %get3A_276 = tpu.vector_load %arg9[%get3A_274, %get3A_275] {strides = array<i32>} : memref<128x128xf32, #tpu.memory_space<vmem>>, vector<16xf32>,
        %add3A_277 = arith.addf %get3A_270, %get3A_273 : vector<16xf32>
        %sub3A_278 = arith.subf %add3A_277, %get3A_276 : vector<16xf32>
        %abs3A_279 = math.absf %sub3A_278 : vector<16xf32>
        %add3A_280 = arith.addf %add3A_254, %abs3A_279 : vector<16xf32>
        %get3A_281 = arith.index_cast %add3A_239 : i32 to index
        %get3A_282 = arith.constant 48 : index
        %get3A_283 = tpu.vector_load %arg7[%get3A_281, %get3A_282] {strides = array<i32>} : memref<128x128xf32, #tpu.memory_space<vmem>>, vector<16xf32>,
        %get3A_284 = arith.index_cast %add3A_239 : i32 to index
        %get3A_285 = arith.constant 48 : index
        %get3A_286 = tpu.vector_load %arg8[%get3A_284, %get3A_285] {strides = array<i32>} : memref<128x128xf32, #tpu.memory_space<vmem>>, vector<16xf32>,
        %get3A_287 = arith.index_cast %add3A_239 : i32 to index
        %get3A_288 = arith.constant 48 : index
        %get3A_289 = tpu.vector_load %arg9[%get3A_287, %get3A_288] {strides = array<i32>} : memref<128x128xf32, #tpu.memory_space<vmem>>, vector<16xf32>,
        %add3A_290 = arith.addf %get3A_283, %get3A_286 : vector<16xf32>
        %sub3A_291 = arith.subf %add3A_290, %get3A_289 : vector<16xf32>
        %abs3A_292 = math.absf %sub3A_291 : vector<16xf32>
        %add3A_293 = arith.addf %add3A_267, %abs3A_292 : vector<16xf32>
        %get3A_294 = arith.index_cast %add3A_239 : i32 to index
        %get3A_295 = arith.constant 64 : index
        %get3A_296 = tpu.vector_load %arg7[%get3A_294, %get3A_295] {strides = array<i32>} : memref<128x128xf32, #tpu.memory_space<vmem>>, vector<16xf32>,
        %get3A_297 = arith.index_cast %add3A_239 : i32 to index
        %get3A_298 = arith.constant 64 : index
        %get3A_299 = tpu.vector_load %arg8[%get3A_297, %get3A_298] {strides = array<i32>} : memref<128x128xf32, #tpu.memory_space<vmem>>, vector<16xf32>,
        %get3A_300 = arith.index_cast %add3A_239 : i32 to index
        %get3A_301 = arith.constant 64 : index
        %get3A_302 = tpu.vector_load %arg9[%get3A_300, %get3A_301] {strides = array<i32>} : memref<128x128xf32, #tpu.memory_space<vmem>>, vector<16xf32>,
        %add3A_303 = arith.addf %get3A_296, %get3A_299 : vector<16xf32>
        %sub3A_304 = arith.subf %add3A_303, %get3A_302 : vector<16xf32>
        %abs3A_305 = math.absf %sub3A_304 : vector<16xf32>
        %add3A_306 = arith.addf %add3A_280, %abs3A_305 : vector<16xf32>
        %get3A_307 = arith.index_cast %add3A_239 : i32 to index
        %get3A_308 = arith.constant 80 : index
        %get3A_309 = tpu.vector_load %arg7[%get3A_307, %get3A_308] {strides = array<i32>} : memref<128x128xf32, #tpu.memory_space<vmem>>, vector<16xf32>,
        %get3A_310 = arith.index_cast %add3A_239 : i32 to index
        %get3A_311 = arith.constant 80 : index
        %get3A_312 = tpu.vector_load %arg8[%get3A_310, %get3A_311] {strides = array<i32>} : memref<128x128xf32, #tpu.memory_space<vmem>>, vector<16xf32>,
        %get3A_313 = arith.index_cast %add3A_239 : i32 to index
        %get3A_314 = arith.constant 80 : index
        %get3A_315 = tpu.vector_load %arg9[%get3A_313, %get3A_314] {strides = array<i32>} : memref<128x128xf32, #tpu.memory_space<vmem>>, vector<16xf32>,
        %add3A_316 = arith.addf %get3A_309, %get3A_312 : vector<16xf32>
        %sub3A_317 = arith.subf %add3A_316, %get3A_315 : vector<16xf32>
        %abs3A_318 = math.absf %sub3A_317 : vector<16xf32>
        %add3A_319 = arith.addf %add3A_293, %abs3A_318 : vector<16xf32>
        %get3A_320 = arith.index_cast %add3A_239 : i32 to index
        %get3A_321 = arith.constant 96 : index
        %get3A_322 = tpu.vector_load %arg7[%get3A_320, %get3A_321] {strides = array<i32>} : memref<128x128xf32, #tpu.memory_space<vmem>>, vector<16xf32>,
        %get3A_323 = arith.index_cast %add3A_239 : i32 to index
        %get3A_324 = arith.constant 96 : index
        %get3A_325 = tpu.vector_load %arg8[%get3A_323, %get3A_324] {strides = array<i32>} : memref<128x128xf32, #tpu.memory_space<vmem>>, vector<16xf32>,
        %get3A_326 = arith.index_cast %add3A_239 : i32 to index
        %get3A_327 = arith.constant 96 : index
        %get3A_328 = tpu.vector_load %arg9[%get3A_326, %get3A_327] {strides = array<i32>} : memref<128x128xf32, #tpu.memory_space<vmem>>, vector<16xf32>,
        %add3A_329 = arith.addf %get3A_322, %get3A_325 : vector<16xf32>
        %sub3A_330 = arith.subf %add3A_329, %get3A_328 : vector<16xf32>
        %abs3A_331 = math.absf %sub3A_330 : vector<16xf32>
        %add3A_332 = arith.addf %add3A_306, %abs3A_331 : vector<16xf32>
        %get3A_333 = arith.index_cast %add3A_239 : i32 to index
        %get3A_334 = arith.constant 112 : index
        %get3A_335 = tpu.vector_load %arg7[%get3A_333, %get3A_334] {strides = array<i32>} : memref<128x128xf32, #tpu.memory_space<vmem>>, vector<16xf32>,
        %get3A_336 = arith.index_cast %add3A_239 : i32 to index
        %get3A_337 = arith.constant 112 : index
        %get3A_338 = tpu.vector_load %arg8[%get3A_336, %get3A_337] {strides = array<i32>} : memref<128x128xf32, #tpu.memory_space<vmem>>, vector<16xf32>,
        %get3A_339 = arith.index_cast %add3A_239 : i32 to index
        %get3A_340 = arith.constant 112 : index
        %get3A_341 = tpu.vector_load %arg9[%get3A_339, %get3A_340] {strides = array<i32>} : memref<128x128xf32, #tpu.memory_space<vmem>>, vector<16xf32>,
        %add3A_342 = arith.addf %get3A_335, %get3A_338 : vector<16xf32>
        %sub3A_343 = arith.subf %add3A_342, %get3A_341 : vector<16xf32>
        %abs3A_344 = math.absf %sub3A_343 : vector<16xf32>
        %add3A_345 = arith.addf %add3A_319, %abs3A_344 : vector<16xf32>
        %add3A_346 = arith.addf %add3A_332, %add3A_345 : vector<16xf32>
        %mul3A_347 = arith.constant 17 : i32
        %mul3A_348 = arith.muli %add3A_239, %mul3A_347 : i32
        %swap3A_349 = arith.index_cast %mul3A_348 : i32 to index
        %swap3A_350 = tpu.vector_load %arg10[%swap3A_349] {strides = array<i32>} : memref<2176xf32, #tpu.memory_space<vmem>>, vector<16xf32>,
        tpu.vector_store %arg10[%swap3A_349], %add3A_346 {strides = array<i32>} : memref<2176xf32, #tpu.memory_space<vmem>>, vector<16xf32>,
        %scan3A_351 = arith.constant 1 : i32
        %scan3A_352 = arith.addi %scan3A_236, %scan3A_351 : i32
        %mul3A_353 = arith.constant 16 : i32
        %mul3A_354 = arith.muli %scan3A_86, %mul3A_353 : i32
        %add3A_355 = arith.addi %mul3A_354, %scan3A_352 : i32
        %broadcast_in_dim3A_356 = arith.constant 0.000000e+00 : f32
        %broadcast_in_dim3A_357 = vector.broadcast %broadcast_in_dim3A_356 : f32 to vector<16xf32>
        %broadcast_in_dim3A_358 = arith.constant 0.000000e+00 : f32
        %broadcast_in_dim3A_359 = vector.broadcast %broadcast_in_dim3A_358 : f32 to vector<16xf32>
        %get3A_360 = arith.index_cast %add3A_355 : i32 to index
        %get3A_361 = arith.constant 0 : index
        %get3A_362 = tpu.vector_load %arg7[%get3A_360, %get3A_361] {strides = array<i32>} : memref<128x128xf32, #tpu.memory_space<vmem>>, vector<16xf32>,
        %get3A_363 = arith.index_cast %add3A_355 : i32 to index
        %get3A_364 = arith.constant 0 : index
        %get3A_365 = tpu.vector_load %arg8[%get3A_363, %get3A_364] {strides = array<i32>} : memref<128x128xf32, #tpu.memory_space<vmem>>, vector<16xf32>,
        %get3A_366 = arith.index_cast %add3A_355 : i32 to index
        %get3A_367 = arith.constant 0 : index
        %get3A_368 = tpu.vector_load %arg9[%get3A_366, %get3A_367] {strides = array<i32>} : memref<128x128xf32, #tpu.memory_space<vmem>>, vector<16xf32>,
        %add3A_369 = arith.addf %get3A_362, %get3A_365 : vector<16xf32>
        %sub3A_370 = arith.subf %add3A_369, %get3A_368 : vector<16xf32>
        %abs3A_371 = math.absf %sub3A_370 : vector<16xf32>
        %add3A_372 = arith.addf %broadcast_in_dim3A_357, %abs3A_371 : vector<16xf32>
        %get3A_373 = arith.index_cast %add3A_355 : i32 to index
        %get3A_374 = arith.constant 16 : index
        %get3A_375 = tpu.vector_load %arg7[%get3A_373, %get3A_374] {strides = array<i32>} : memref<128x128xf32, #tpu.memory_space<vmem>>, vector<16xf32>,
        %get3A_376 = arith.index_cast %add3A_355 : i32 to index
        %get3A_377 = arith.constant 16 : index
        %get3A_378 = tpu.vector_load %arg8[%get3A_376, %get3A_377] {strides = array<i32>} : memref<128x128xf32, #tpu.memory_space<vmem>>, vector<16xf32>,
        %get3A_379 = arith.index_cast %add3A_355 : i32 to index
        %get3A_380 = arith.constant 16 : index
        %get3A_381 = tpu.vector_load %arg9[%get3A_379, %get3A_380] {strides = array<i32>} : memref<128x128xf32, #tpu.memory_space<vmem>>, vector<16xf32>,
        %add3A_382 = arith.addf %get3A_375, %get3A_378 : vector<16xf32>
        %sub3A_383 = arith.subf %add3A_382, %get3A_381 : vector<16xf32>
        %abs3A_384 = math.absf %sub3A_383 : vector<16xf32>
        %add3A_385 = arith.addf %broadcast_in_dim3A_359, %abs3A_384 : vector<16xf32>
        %get3A_386 = arith.index_cast %add3A_355 : i32 to index
        %get3A_387 = arith.constant 32 : index
        %get3A_388 = tpu.vector_load %arg7[%get3A_386, %get3A_387] {strides = array<i32>} : memref<128x128xf32, #tpu.memory_space<vmem>>, vector<16xf32>,
        %get3A_389 = arith.index_cast %add3A_355 : i32 to index
        %get3A_390 = arith.constant 32 : index
        %get3A_391 = tpu.vector_load %arg8[%get3A_389, %get3A_390] {strides = array<i32>} : memref<128x128xf32, #tpu.memory_space<vmem>>, vector<16xf32>,
        %get3A_392 = arith.index_cast %add3A_355 : i32 to index
        %get3A_393 = arith.constant 32 : index
        %get3A_394 = tpu.vector_load %arg9[%get3A_392, %get3A_393] {strides = array<i32>} : memref<128x128xf32, #tpu.memory_space<vmem>>, vector<16xf32>,
        %add3A_395 = arith.addf %get3A_388, %get3A_391 : vector<16xf32>
        %sub3A_396 = arith.subf %add3A_395, %get3A_394 : vector<16xf32>
        %abs3A_397 = math.absf %sub3A_396 : vector<16xf32>
        %add3A_398 = arith.addf %add3A_372, %abs3A_397 : vector<16xf32>
        %get3A_399 = arith.index_cast %add3A_355 : i32 to index
        %get3A_400 = arith.constant 48 : index
        %get3A_401 = tpu.vector_load %arg7[%get3A_399, %get3A_400] {strides = array<i32>} : memref<128x128xf32, #tpu.memory_space<vmem>>, vector<16xf32>,
        %get3A_402 = arith.index_cast %add3A_355 : i32 to index
        %get3A_403 = arith.constant 48 : index
        %get3A_404 = tpu.vector_load %arg8[%get3A_402, %get3A_403] {strides = array<i32>} : memref<128x128xf32, #tpu.memory_space<vmem>>, vector<16xf32>,
        %get3A_405 = arith.index_cast %add3A_355 : i32 to index
        %get3A_406 = arith.constant 48 : index
        %get3A_407 = tpu.vector_load %arg9[%get3A_405, %get3A_406] {strides = array<i32>} : memref<128x128xf32, #tpu.memory_space<vmem>>, vector<16xf32>,
        %add3A_408 = arith.addf %get3A_401, %get3A_404 : vector<16xf32>
        %sub3A_409 = arith.subf %add3A_408, %get3A_407 : vector<16xf32>
        %abs3A_410 = math.absf %sub3A_409 : vector<16xf32>
        %add3A_411 = arith.addf %add3A_385, %abs3A_410 : vector<16xf32>
        %get3A_412 = arith.index_cast %add3A_355 : i32 to index
        %get3A_413 = arith.constant 64 : index
        %get3A_414 = tpu.vector_load %arg7[%get3A_412, %get3A_413] {strides = array<i32>} : memref<128x128xf32, #tpu.memory_space<vmem>>, vector<16xf32>,
        %get3A_415 = arith.index_cast %add3A_355 : i32 to index
        %get3A_416 = arith.constant 64 : index
        %get3A_417 = tpu.vector_load %arg8[%get3A_415, %get3A_416] {strides = array<i32>} : memref<128x128xf32, #tpu.memory_space<vmem>>, vector<16xf32>,
        %get3A_418 = arith.index_cast %add3A_355 : i32 to index
        %get3A_419 = arith.constant 64 : index
        %get3A_420 = tpu.vector_load %arg9[%get3A_418, %get3A_419] {strides = array<i32>} : memref<128x128xf32, #tpu.memory_space<vmem>>, vector<16xf32>,
        %add3A_421 = arith.addf %get3A_414, %get3A_417 : vector<16xf32>
        %sub3A_422 = arith.subf %add3A_421, %get3A_420 : vector<16xf32>
        %abs3A_423 = math.absf %sub3A_422 : vector<16xf32>
        %add3A_424 = arith.addf %add3A_398, %abs3A_423 : vector<16xf32>
        %get3A_425 = arith.index_cast %add3A_355 : i32 to index
        %get3A_426 = arith.constant 80 : index
        %get3A_427 = tpu.vector_load %arg7[%get3A_425, %get3A_426] {strides = array<i32>} : memref<128x128xf32, #tpu.memory_space<vmem>>, vector<16xf32>,
        %get3A_428 = arith.index_cast %add3A_355 : i32 to index
        %get3A_429 = arith.constant 80 : index
        %get3A_430 = tpu.vector_load %arg8[%get3A_428, %get3A_429] {strides = array<i32>} : memref<128x128xf32, #tpu.memory_space<vmem>>, vector<16xf32>,
        %get3A_431 = arith.index_cast %add3A_355 : i32 to index
        %get3A_432 = arith.constant 80 : index
        %get3A_433 = tpu.vector_load %arg9[%get3A_431, %get3A_432] {strides = array<i32>} : memref<128x128xf32, #tpu.memory_space<vmem>>, vector<16xf32>,
        %add3A_434 = arith.addf %get3A_427, %get3A_430 : vector<16xf32>
        %sub3A_435 = arith.subf %add3A_434, %get3A_433 : vector<16xf32>
        %abs3A_436 = math.absf %sub3A_435 : vector<16xf32>
        %add3A_437 = arith.addf %add3A_411, %abs3A_436 : vector<16xf32>
        %get3A_438 = arith.index_cast %add3A_355 : i32 to index
        %get3A_439 = arith.constant 96 : index
        %get3A_440 = tpu.vector_load %arg7[%get3A_438, %get3A_439] {strides = array<i32>} : memref<128x128xf32, #tpu.memory_space<vmem>>, vector<16xf32>,
        %get3A_441 = arith.index_cast %add3A_355 : i32 to index
        %get3A_442 = arith.constant 96 : index
        %get3A_443 = tpu.vector_load %arg8[%get3A_441, %get3A_442] {strides = array<i32>} : memref<128x128xf32, #tpu.memory_space<vmem>>, vector<16xf32>,
        %get3A_444 = arith.index_cast %add3A_355 : i32 to index
        %get3A_445 = arith.constant 96 : index
        %get3A_446 = tpu.vector_load %arg9[%get3A_444, %get3A_445] {strides = array<i32>} : memref<128x128xf32, #tpu.memory_space<vmem>>, vector<16xf32>,
        %add3A_447 = arith.addf %get3A_440, %get3A_443 : vector<16xf32>
        %sub3A_448 = arith.subf %add3A_447, %get3A_446 : vector<16xf32>
        %abs3A_449 = math.absf %sub3A_448 : vector<16xf32>
        %add3A_450 = arith.addf %add3A_424, %abs3A_449 : vector<16xf32>
        %get3A_451 = arith.index_cast %add3A_355 : i32 to index
        %get3A_452 = arith.constant 112 : index
        %get3A_453 = tpu.vector_load %arg7[%get3A_451, %get3A_452] {strides = array<i32>} : memref<128x128xf32, #tpu.memory_space<vmem>>, vector<16xf32>,
        %get3A_454 = arith.index_cast %add3A_355 : i32 to index
        %get3A_455 = arith.constant 112 : index
        %get3A_456 = tpu.vector_load %arg8[%get3A_454, %get3A_455] {strides = array<i32>} : memref<128x128xf32, #tpu.memory_space<vmem>>, vector<16xf32>,
        %get3A_457 = arith.index_cast %add3A_355 : i32 to index
        %get3A_458 = arith.constant 112 : index
        %get3A_459 = tpu.vector_load %arg9[%get3A_457, %get3A_458] {strides = array<i32>} : memref<128x128xf32, #tpu.memory_space<vmem>>, vector<16xf32>,
        %add3A_460 = arith.addf %get3A_453, %get3A_456 : vector<16xf32>
        %sub3A_461 = arith.subf %add3A_460, %get3A_459 : vector<16xf32>
        %abs3A_462 = math.absf %sub3A_461 : vector<16xf32>
        %add3A_463 = arith.addf %add3A_437, %abs3A_462 : vector<16xf32>
        %add3A_464 = arith.addf %add3A_450, %add3A_463 : vector<16xf32>
        %mul3A_465 = arith.constant 17 : i32
        %mul3A_466 = arith.muli %add3A_355, %mul3A_465 : i32
        %swap3A_467 = arith.index_cast %mul3A_466 : i32 to index
        %swap3A_468 = tpu.vector_load %arg10[%swap3A_467] {strides = array<i32>} : memref<2176xf32, #tpu.memory_space<vmem>>, vector<16xf32>,
        tpu.vector_store %arg10[%swap3A_467], %add3A_464 {strides = array<i32>} : memref<2176xf32, #tpu.memory_space<vmem>>, vector<16xf32>,
      }
      %scan3A_138 = arith.constant 16 : i32
      %mul3A_139 = arith.constant 16 : i32
      %mul3A_140 = arith.muli %scan3A_86, %mul3A_139 : i32
      %add3A_141 = vector.broadcast %mul3A_140 : i32 to vector<16xi32>
      %add3A_142 = arith.addi %iota3A, %add3A_141 : vector<16xi32>
      %add3A_143 = arith.constant 0 : i32
      %add3A_144 = vector.broadcast %add3A_143 : i32 to vector<16xi32>
      %add3A_145 = arith.addi %add3A_142, %add3A_144 : vector<16xi32>
      %mul3A_146 = arith.constant 17 : i32
      %mul3A_147 = vector.broadcast %mul3A_146 : i32 to vector<16xi32>
      %mul3A_148 = arith.muli %add3A_145, %mul3A_147 : vector<16xi32>
      %broadcast_in_dim3A = arith.constant 0.000000e+00 : f32
      %broadcast_in_dim3A_149 = vector.broadcast %broadcast_in_dim3A : f32 to vector<16xf32>
      %add3A_150 = arith.constant 0 : i32
      %add3A_151 = vector.broadcast %add3A_150 : i32 to vector<16xi32>
      %add3A_152 = arith.addi %mul3A_148, %add3A_151 : vector<16xi32>
      %gather3A = tpu.vector_load_idx %arg10[%add3A_152] : memref<2176xf32, #tpu.memory_space<vmem>>[vector<16xi32>], vector<16xf32>,
      %add3A_153 = arith.addf %broadcast_in_dim3A_149, %gather3A : vector<16xf32>
      %add3A_154 = arith.constant 1 : i32
      %add3A_155 = vector.broadcast %add3A_154 : i32 to vector<16xi32>
      %add3A_156 = arith.addi %mul3A_148, %add3A_155 : vector<16xi32>
      %gather3A_157 = tpu.vector_load_idx %arg10[%add3A_156] : memref<2176xf32, #tpu.memory_space<vmem>>[vector<16xi32>], vector<16xf32>,
      %add3A_158 = arith.addf %add3A_153, %gather3A_157 : vector<16xf32>
      %add3A_159 = arith.constant 2 : i32
      %add3A_160 = vector.broadcast %add3A_159 : i32 to vector<16xi32>
      %add3A_161 = arith.addi %mul3A_148, %add3A_160 : vector<16xi32>
      %gather3A_162 = tpu.vector_load_idx %arg10[%add3A_161] : memref<2176xf32, #tpu.memory_space<vmem>>[vector<16xi32>], vector<16xf32>,
      %add3A_163 = arith.addf %add3A_158, %gather3A_162 : vector<16xf32>
      %add3A_164 = arith.constant 3 : i32
      %add3A_165 = vector.broadcast %add3A_164 : i32 to vector<16xi32>
      %add3A_166 = arith.addi %mul3A_148, %add3A_165 : vector<16xi32>
      %gather3A_167 = tpu.vector_load_idx %arg10[%add3A_166] : memref<2176xf32, #tpu.memory_space<vmem>>[vector<16xi32>], vector<16xf32>,
      %add3A_168 = arith.addf %add3A_163, %gather3A_167 : vector<16xf32>
      %add3A_169 = arith.constant 4 : i32
      %add3A_170 = vector.broadcast %add3A_169 : i32 to vector<16xi32>
      %add3A_171 = arith.addi %mul3A_148, %add3A_170 : vector<16xi32>
      %gather3A_172 = tpu.vector_load_idx %arg10[%add3A_171] : memref<2176xf32, #tpu.memory_space<vmem>>[vector<16xi32>], vector<16xf32>,
      %add3A_173 = arith.addf %add3A_168, %gather3A_172 : vector<16xf32>
      %add3A_174 = arith.constant 5 : i32
      %add3A_175 = vector.broadcast %add3A_174 : i32 to vector<16xi32>
      %add3A_176 = arith.addi %mul3A_148, %add3A_175 : vector<16xi32>
      %gather3A_177 = tpu.vector_load_idx %arg10[%add3A_176] : memref<2176xf32, #tpu.memory_space<vmem>>[vector<16xi32>], vector<16xf32>,
      %add3A_178 = arith.addf %add3A_173, %gather3A_177 : vector<16xf32>
      %add3A_179 = arith.constant 6 : i32
      %add3A_180 = vector.broadcast %add3A_179 : i32 to vector<16xi32>
      %add3A_181 = arith.addi %mul3A_148, %add3A_180 : vector<16xi32>
      %gather3A_182 = tpu.vector_load_idx %arg10[%add3A_181] : memref<2176xf32, #tpu.memory_space<vmem>>[vector<16xi32>], vector<16xf32>,
      %add3A_183 = arith.addf %add3A_178, %gather3A_182 : vector<16xf32>
      %add3A_184 = arith.constant 7 : i32
      %add3A_185 = vector.broadcast %add3A_184 : i32 to vector<16xi32>
      %add3A_186 = arith.addi %mul3A_148, %add3A_185 : vector<16xi32>
      %gather3A_187 = tpu.vector_load_idx %arg10[%add3A_186] : memref<2176xf32, #tpu.memory_space<vmem>>[vector<16xi32>], vector<16xf32>,
      %add3A_188 = arith.addf %add3A_183, %gather3A_187 : vector<16xf32>
      %add3A_189 = arith.constant 8 : i32
      %add3A_190 = vector.broadcast %add3A_189 : i32 to vector<16xi32>
      %add3A_191 = arith.addi %mul3A_148, %add3A_190 : vector<16xi32>
      %gather3A_192 = tpu.vector_load_idx %arg10[%add3A_191] : memref<2176xf32, #tpu.memory_space<vmem>>[vector<16xi32>], vector<16xf32>,
      %add3A_193 = arith.addf %add3A_188, %gather3A_192 : vector<16xf32>
      %add3A_194 = arith.constant 9 : i32
      %add3A_195 = vector.broadcast %add3A_194 : i32 to vector<16xi32>
      %add3A_196 = arith.addi %mul3A_148, %add3A_195 : vector<16xi32>
      %gather3A_197 = tpu.vector_load_idx %arg10[%add3A_196] : memref<2176xf32, #tpu.memory_space<vmem>>[vector<16xi32>], vector<16xf32>,
      %add3A_198 = arith.addf %add3A_193, %gather3A_197 : vector<16xf32>
      %add3A_199 = arith.constant 10 : i32
      %add3A_200 = vector.broadcast %add3A_199 : i32 to vector<16xi32>
      %add3A_201 = arith.addi %mul3A_148, %add3A_200 : vector<16xi32>
      %gather3A_202 = tpu.vector_load_idx %arg10[%add3A_201] : memref<2176xf32, #tpu.memory_space<vmem>>[vector<16xi32>], vector<16xf32>,
      %add3A_203 = arith.addf %add3A_198, %gather3A_202 : vector<16xf32>
      %add3A_204 = arith.constant 11 : i32
      %add3A_205 = vector.broadcast %add3A_204 : i32 to vector<16xi32>
      %add3A_206 = arith.addi %mul3A_148, %add3A_205 : vector<16xi32>
      %gather3A_207 = tpu.vector_load_idx %arg10[%add3A_206] : memref<2176xf32, #tpu.memory_space<vmem>>[vector<16xi32>], vector<16xf32>,
      %add3A_208 = arith.addf %add3A_203, %gather3A_207 : vector<16xf32>
      %add3A_209 = arith.constant 12 : i32
      %add3A_210 = vector.broadcast %add3A_209 : i32 to vector<16xi32>
      %add3A_211 = arith.addi %mul3A_148, %add3A_210 : vector<16xi32>
      %gather3A_212 = tpu.vector_load_idx %arg10[%add3A_211] : memref<2176xf32, #tpu.memory_space<vmem>>[vector<16xi32>], vector<16xf32>,
      %add3A_213 = arith.addf %add3A_208, %gather3A_212 : vector<16xf32>
      %add3A_214 = arith.constant 13 : i32
      %add3A_215 = vector.broadcast %add3A_214 : i32 to vector<16xi32>
      %add3A_216 = arith.addi %mul3A_148, %add3A_215 : vector<16xi32>
      %gather3A_217 = tpu.vector_load_idx %arg10[%add3A_216] : memref<2176xf32, #tpu.memory_space<vmem>>[vector<16xi32>], vector<16xf32>,
      %add3A_218 = arith.addf %add3A_213, %gather3A_217 : vector<16xf32>
      %add3A_219 = arith.constant 14 : i32
      %add3A_220 = vector.broadcast %add3A_219 : i32 to vector<16xi32>
      %add3A_221 = arith.addi %mul3A_148, %add3A_220 : vector<16xi32>
      %gather3A_222 = tpu.vector_load_idx %arg10[%add3A_221] : memref<2176xf32, #tpu.memory_space<vmem>>[vector<16xi32>], vector<16xf32>,
      %add3A_223 = arith.addf %add3A_218, %gather3A_222 : vector<16xf32>
      %add3A_224 = arith.constant 15 : i32
      %add3A_225 = vector.broadcast %add3A_224 : i32 to vector<16xi32>
      %add3A_226 = arith.addi %mul3A_148, %add3A_225 : vector<16xi32>
      %gather3A_227 = tpu.vector_load_idx %arg10[%add3A_226] : memref<2176xf32, #tpu.memory_space<vmem>>[vector<16xi32>], vector<16xf32>,
      %add3A_228 = arith.addf %add3A_223, %gather3A_227 : vector<16xf32>
      %sub3A = arith.constant 1.200000e+01 : f32
      %sub3A_229 = vector.broadcast %sub3A : f32 to vector<16xf32>
      %sub3A_230 = arith.subf %sub3A_229, %add3A_228 : vector<16xf32>
      %mul3A_231 = arith.constant 16 : i32
      %mul3A_232 = arith.muli %scan3A_86, %mul3A_231 : i32
      %add3A_233 = arith.constant 0 : i32
      %add3A_234 = arith.addi %mul3A_232, %add3A_233 : i32
      %swap3A = arith.index_cast %add3A_234 : i32 to index
      %swap3A_235 = tpu.vector_load %arg11[%swap3A] {strides = array<i32>} : memref<128xf32, #tpu.memory_space<vmem>>, vector<16xf32>,
      tpu.vector_store %arg11[%swap3A], %sub3A_230 {strides = array<i32>} : memref<128xf32, #tpu.memory_space<vmem>>, vector<16xf32>,
    }
    %scan3A_85 = arith.constant 8 : i32
    "tpu.region"() ({
      %run_scoped3A = tpu.sem_alloc : memref<!tpu.dma_semaphore, #tpu.memory_space<semaphore_mem>>
      %dma_start3A_86 = tpu.memref_slice %arg5[%mul3A_2] : memref<4096xf32, #tpu.memory_space<hbm>> -> memref<128xf32, #tpu.memory_space<hbm>>
      %dma_start3A_87 = tpu.memref_slice %arg5[%mul3A_2] : memref<4096xf32, #tpu.memory_space<hbm>> -> memref<128xf32, #tpu.memory_space<hbm>>
      tpu.enqueue_dma source(%arg11 : memref<128xf32, #tpu.memory_space<vmem>>) target(%dma_start3A_87 : memref<128xf32, #tpu.memory_space<hbm>>) target_semaphore(%run_scoped3A : memref<!tpu.dma_semaphore, #tpu.memory_space<semaphore_mem>>)
      %dma_wait3A_88 = tpu.memref_slice %arg5[%mul3A_2] : memref<4096xf32, #tpu.memory_space<hbm>> -> memref<128xf32, #tpu.memory_space<hbm>>
      %dma_wait3A_89 = tpu.memref_slice %arg5[%mul3A_2] : memref<4096xf32, #tpu.memory_space<hbm>> -> memref<128xf32, #tpu.memory_space<hbm>>
      tpu.wait_dma2 semaphore(%run_scoped3A : memref<!tpu.dma_semaphore, #tpu.memory_space<semaphore_mem>>) src(%arg11 : memref<128xf32, #tpu.memory_space<vmem>>) dst(%dma_wait3A_89 : memref<128xf32, #tpu.memory_space<hbm>>)
      tpu.yield
    }) : () -> ()
    return
  }
}

</mosaic_0001>

<sc_bundles>
// kernel: kernel.3.cloned.1.call-start
scs
__scs_entry_jumppad:
0x0: {  	(pc) =	sbr.rel $0x88, $3  }
0x1: {  	(tag) =	ssettag $0x0;
	lr =	simm.s32 $0x1  }
0x2: {  	[smem:$0x3F9E] =	sst lr;
	_ =	strace $0xD0000000  }
0x3: {  	_ = 	snop  }
0x4: {  	_ = 	snop  }
0x5: {  	_ = 	snop  }
0x6: {  	_ = 	snop  }
0x7: {  	_ = 	snop  }
__scs_overlays_trampoline_lowered:
0x8: {  	[smem:$0x3FAD] =	sst s0  }
0x9: {  	[smem:$0x3FAE] =	sst s1  }
0xa: {  	[smem:$0x3FAF] =	sst s2  }
0xb: {  	[smem:$0x3FB0] =	sst s3  }
0xc: {  	[smem:$0x3FB1] =	sst s4  }
0xd: {  	[smem:$0x3FB2] =	sst s5  }
0xe: {  	[smem:$0x3FB3] =	sst s6  }
0xf: {  	[smem:$0x3FB4] =	sst s7  }
0x10: {  	[smem:$0x3FB5] =	sst s8  }
0x11: {  	[smem:$0x3FB6] =	sst s9;
	s0 =	simm.s32 @!p0 $0x0  }
0x12: {  	s1 =	sld [smem:$0x3F9C];
	s0 =	simm.s32 @p0 $0x1  }
0x13: {  	[smem:$0x3FB7] =	sst s0;
	s0 =	simm.s32 @!p1 $0x0  }
0x14: {  	s2 =	sld [smem:$0x3F9B];
	s0 =	simm.s32 @p1 $0x1  }
0x15: {  	[smem:$0x3FB8] =	sst s0;
	s0 =	simm.s32 @!p2 $0x0  }
0x16: {  	s3 =	sld [smem:$0x3FDB];
	s0 =	simm.s32 @p2 $0x1  }
0x17: {  	s4 =	simm.s32 $0x1BF5;
	[smem:$0x3FBA] =	sst s0  }
0x18: {  	s0 =	sld [smem:$0x3F9D];
	_ =	swait.ge [sflag:s4], $0x0  }
0x19: {  	s7 =	sld [smem:$0x3F9E]  }
0x1a: {  	s8 =	sadd.s32 $0xFFFFE003, lr  }
0x1b: {  	s9 =	sadd.s32 $0xFFFFFEF7, lr;
	s5 =	simm.s32 $0xFFFFFFFF;
	p2 =	slt.u32 s8, $0xFFFFF086  }
0x1c: {  	p1 =	slt.u32 s9, $0xF7A;
	s5 =	simm.s32 @!p2 $0x0  }
0x1d: {  	s5 =	simm.s32 @p1 $0x1;
	p0 =	seq.s32 s7, s2  }
0x1e: {  	s7 =	smul.u32 @!p0 $0xF7A, s2;
	p2 =	seq.s32 @!p0 s5, $0x0  }
0x1f: {  	s9 =	smul.u32 $0xF7A, s1;
	s8 =	simm.s32 @!p0 $0x1BF5;
	p2 =	por !p2, p0  }
0x20: {  	[sflag:s8] =	ssyncset.s32 @!p0 $0xFFFFF086;
	s6 =	sadd.s32 @!p0 s3, s7;
	s7 =	simm.s32 @!p0 $0x108  }
0x21: {  	s3 =	sadd.s32 s3, s9;
	s6 =	sadd.s32 @!p0 $0x88, s6;
	s7 =	simm.s32 @p2 $0x1082  }
0x22: {  	[simem:s7], [sflag:s8] =	dma.local @!p0 [hbm:s6], $0xF7A  }
0x23: {  	s9 =	sor.u32 $0xD0000000, s2;
	s6 =	simm.s32 $0x108;
	_ =	swait.ge @!p0 [sflag:s8], $0x0  }
0x24: {  	s3 =	sadd.s32 $0x88, s3;
	s6 =	simm.s32 @!p1 $0x1082;
	[sflag:s4] =	ssyncset.s32 $0xFFFFF086  }
0x25: {  	[simem:s6], [sflag:s4] =	dma.local [hbm:s3], $0xF7A  }
0x26: {  	[smem:$0x3F9E] =	sst s1;
	(tag) =	ssettag s2;
	_ =	strace s9  }
0x27: {  	s1 =	sld [smem:$0x3FAE]  }
0x28: {  	s2 =	sld [smem:$0x3FAF]  }
0x29: {  	s4 =	sld [smem:$0x3FB1]  }
0x2a: {  	p0 =	seq.s32 s5, $0x0;
	s5 =	sld [smem:$0x3FB2]  }
0x2b: {  	s6 =	sld [smem:$0x3FB3]  }
0x2c: {  	s7 =	sld [smem:$0x3FB4]  }
0x2d: {  	s3 =	simm.s32 $0x108;
	s8 =	sld [smem:$0x3FB5]  }
0x2e: {  	s3 =	simm.s32 @!p0 $0x1082;
	s9 =	sld [smem:$0x3FB6]  }
0x2f: {  	lr =	sadd.s32 s0, s3;
	s0 =	sld [smem:$0x3FAD]  }
0x30: {  	s3 =	sld [smem:$0x3FB0]  }
0x31: {  	[smem:$0x3FB9] =	sst s10  }
0x32: {  	s10 =	sld [smem:$0x3FB7];
	_ =	sdelay $0x3  }
0x33: {  	p0 =	seq.s32 s10, $0x1;
	s10 =	sld [smem:$0x3FB9];
	_ =	sdelay $0x3  }
0x34: {  	[smem:$0x3FB9] =	sst s10  }
0x35: {  	s10 =	sld [smem:$0x3FB8];
	_ =	sdelay $0x3  }
0x36: {  	p1 =	seq.s32 s10, $0x1;
	s10 =	sld [smem:$0x3FB9];
	_ =	sdelay $0x3  }
0x37: {  	[smem:$0x3FB9] =	sst s10  }
0x38: {  	s10 =	sld [smem:$0x3FBA]  }
0x39: {  	_ = 	snop;
	(pc) =	sbr.ind lr, $3  }
0x3a: {  	_ = 	snop  }
0x3b: {  	_ = 	snop  }
0x3c: {  	p2 =	seq.s32 s10, $0x1;
	s10 =	sld [smem:$0x3FB9]  }
0x3d: {  	_ =	shalt  }
0x3e: {  	_ =	shalt  }
0x3f: {  	_ =	shalt  }
0x40: {  	_ =	shalt  }
0x41: {  	_ =	shalt  }
0x42: {  	_ =	shalt  }
0x43: {  	_ =	shalt  }
0x44: {  	_ =	shalt  }
0x45: {  	_ =	shalt  }
0x46: {  	_ =	shalt  }
0x47: {  	_ =	shalt  }
0x48: {  	_ =	shalt  }
0x49: {  	_ =	shalt  }
0x4a: {  	_ =	shalt  }
0x4b: {  	_ =	shalt  }
0x4c: {  	_ =	shalt  }
0x4d: {  	_ =	shalt  }
0x4e: {  	_ =	shalt  }
0x4f: {  	_ =	shalt  }
0x50: {  	_ =	shalt  }
0x51: {  	_ =	shalt  }
0x52: {  	_ =	shalt  }
0x53: {  	_ =	shalt  }
0x54: {  	_ =	shalt  }
0x55: {  	_ =	shalt  }
0x56: {  	_ =	shalt  }
0x57: {  	_ =	shalt  }
0x58: {  	_ =	shalt  }
0x59: {  	_ =	shalt  }
0x5a: {  	_ =	shalt  }
0x5b: {  	_ =	shalt  }
0x5c: {  	_ =	shalt  }
0x5d: {  	_ =	shalt  }
0x5e: {  	_ =	shalt  }
0x5f: {  	_ =	shalt  }
0x60: {  	_ =	shalt  }
0x61: {  	_ =	shalt  }
0x62: {  	_ =	shalt  }
0x63: {  	_ =	shalt  }
0x64: {  	_ =	shalt  }
0x65: {  	_ =	shalt  }
0x66: {  	_ =	shalt  }
0x67: {  	_ =	shalt  }
0x68: {  	_ =	shalt  }
0x69: {  	_ =	shalt  }
0x6a: {  	_ =	shalt  }
0x6b: {  	_ =	shalt  }
0x6c: {  	_ =	shalt  }
0x6d: {  	_ =	shalt  }
0x6e: {  	_ =	shalt  }
0x6f: {  	_ =	shalt  }
0x70: {  	_ =	shalt  }
0x71: {  	_ =	shalt  }
0x72: {  	_ =	shalt  }
0x73: {  	_ =	shalt  }
0x74: {  	_ =	shalt  }
0x75: {  	_ =	shalt  }
0x76: {  	_ =	shalt  }
0x77: {  	_ =	shalt  }
0x78: {  	_ =	shalt  }
0x79: {  	_ =	shalt  }
0x7a: {  	_ =	shalt  }
0x7b: {  	_ =	shalt  }
0x7c: {  	_ =	shalt  }
0x7d: {  	_ =	shalt  }
0x7e: {  	_ =	shalt  }
0x7f: {  	_ =	shalt  }
0x80: {  	_ =	shalt  }
0x81: {  	_ =	shalt  }
0x82: {  	_ =	shalt  }
0x83: {  	_ =	shalt  }
0x84: {  	_ =	shalt  }
0x85: {  	_ =	shalt  }
0x86: {  	_ =	shalt  }
0x87: {  	_ =	shalt  }
.Lfunc_end0:
.L_simem_size_0:
called_computation_lowered:
.L_overlay_start_0:
0x88: {  	s2 =	sld [smem:$0x3FD9]  }
0x89: {  	s3 =	sld [smem:$0x3FFE];
	_ =	sdelay $0x1  }
0x8a: {  	s1 =	srdreg.scid  }
0x8b: {  	s0 =	sand.u32 $0x1, s1  }
0x8c: {  	s17 =	sshll.u32 s0, $0xA;
	s2 =	sadd.s32 s3, s2  }
0x8d: {  	s2 =	sadd.s32 s2, s17  }
0x8e: {  	[smem:$0x3FC5] =	sst s2  }
0x8f: {  	_ = 	snop  }
0x90: {  	s2 =	sld [smem:$0x3FC8]  }
0x91: {  	s18 =	sld [smem:$0x3FC7]  }
0x92: {  	s4 =	sld [smem:$0x3FD0];
	(tm) =	ssettm $0x1  }
0x93: {  	s5 =	sld [smem:$0x3FFB];
	_ =	sdelay $0x3  }
0x94: {  	_ =	strace s5  }
0x95: {  	s5 =	sld [smem:$0x3FFC];
	_ =	sdelay $0x3  }
0x96: {  	_ =	strace s5  }
0x97: {  	s5 =	sld [smem:$0x3FFD];
	_ =	sdelay $0x3  }
0x98: {  	_ =	strace s5  }
0x99: {  	_ =	strace $0x8FFFFFFF  }
0x9a: {  	s19 =	sld [smem:$0x3FDB];
	_ =	sdelay $0x1  }
0x9b: {  	s6 =	simm.s32 $_scs_section_size  }
0x9c: {  	s7 =	simm.s32 $_size__tile_overlayer_lowered;
	s8 =	simm.s32 $_tile_overlayer_lowered  }
0x9d: {  	s22 =	simm.s32 $0x1BFF;
	s21 =	sshll.u32 s8, $0x1;
	s5 =	sadd.s32 s6, s19  }
0x9e: {  	s9 =	simm.s32 $0x0;
	s20 =	sshll.u32 s7, $0x1;
	s7 =	sadd.s32 s21, s5  }
0x9f: {  	[timem:s9], [sflag:s22] =	dma.local [hbm:s7], s20  }
0xa0: {  	_ =	swait.ge [sflag:s22], s20  }
0xa1: {  	s6 =	ssub.s32 $0x0, s20;
	[sflag:s22] =	ssyncset.done $0x0  }
0xa2: {  	[sflag:s22] =	ssyncadd.s32 s6;
	_ =	sdelay $0x1  }
0xa3: {  	s23 =	simm.s32 $0x1B8B  }
0xa4: {  	_ =	swait.ge [sflag:s23], $0x1  }
0xa5: {  	[sflag:s23] =	ssyncset.done $0x0  }
0xa6: {  	s25 =	simm.s32 $0x1B8E;
	s24 =	sld [smem:$0x3FFE];
	[sflag:s23] =	ssyncadd.s32 $0xFFFFFFFF  }
0xa7: {  	s26 =	simm.s32 $execute0_lowered;
	[smem:$0x3FD2] =	sst s25  }
0xa8: {  	s7 =	sshll.u32 s26, $0x1;
	_ =	strace $0x80000046;
	[dreg:$0x1] =	wrdreg $0xFFFFFFFF  }
0xa9: {  	s28 =	simm.s32 $_size_execute0_lowered;
	s5 =	sadd.s32 s5, s7;
	[dreg:$0x0] =	wrdreg $0x0  }
0xaa: {  	s7 =	sshll.u32 s28, $0x1;
	[dreg:$0x2] =	wrdreg s5  }
0xab: {  	[dreg:$0x3] =	wrdreg s7  }
0xac: {  	[dreg:$0x4] =	wrdreg $0xC0  }
0xad: {  	_ =	task [dreg:s9], $0x5FFFF  }
0xae: {  	[dreg:$0x1] =	wrdreg $0xFFFFFFFF  }
0xaf: {  	[dreg:$0x0] =	wrdreg $0x60  }
0xb0: {  	[dreg:$0x2] =	wrdreg s2  }
0xb1: {  	[dreg:$0x3] =	wrdreg s18  }
0xb2: {  	[dreg:$0x4] =	wrdreg s24  }
0xb3: {  	[dreg:$0x5] =	wrdreg s4  }
0xb4: {  	[dreg:$0x6] =	wrdreg $0x9  }
0xb5: {  	_ =	task.clear_ibuf [dreg:s9], $0x7FFFF;
	_ =	strace $0x90000046  }
0xb6: {  	s29 =	simm.s32 $0x9;
	_ =	strace $0x80000048  }
0xb7: {  	_ =	swait.ge [sflag:s29], $0x1  }
0xb8: {  	[sflag:s29] =	ssyncadd.s32 $0xFFFFFFFF  }
0xb9: {  	_ =	strace $0x90000048  }
0xba: {  	_ =	sfence  }
0xbb: {  	s30 =	sld [smem:$0x0];
	_ =	sdelay $0x2  }
0xbc: {  	s31 =	sshll.u32 s1, $0xD;
	s1 =	sshrl.u32 s1, $0x2  }
0xbd: {  	s3 =	sand.u32 $0x4000, s31;
	s1 =	sadd.s32 s1, s30  }
0xbe: {  	s0 =	sor.u32 s3, s0;
	s1 =	sshll.u32 s1, $0x11  }
0xbf: {  	s0 =	sor.u32 s1, s0  }
0xc0: {  	s0 =	sadd.s32 $0x8F2B, s0  }
0xc1: {  	[sflag:s0] =	ssyncadd.remote.s32 $0x1  }
0xc2: {  	_ =	sfence.sel $0xFFFF  }
0xc3: {  	[dreg:$0x0] =	wrdreg $0xFFFFFFFF;
	(pc) =	sbr.abs _section_cstart, $3  }
0xc4: {  	[dreg:$0x1] =	wrdreg $0xFFFFFFFF  }
0xc5: {  	_ =	task.clear_ibuf [dreg:s9], $0x2FFFF;
	_ =	strace $0x9FFFFFFF  }
0xc6: {  	(tm) =	ssettm $0x7FFFFFFF  }
0xc7: {  	_ =	shalt  }
tec
execute0_lowered:
.L_overlay_start_1:
0x0: {  	(tag) =	ssettag $0x1  }
0x1: {  	s1 =	rddreg [dreg:$0x0]  }
0x2: {  	s2 =	rddreg [dreg:$0x1]  }
0x3: {  	s0 =	srdreg.scid;
	s3 =	rddreg [dreg:$0x2]  }
0x4: {  	s4 =	stileid.u32;
	s6 =	rddreg [dreg:$0x3]  }
0x5: {  	s8 =	simm.s32 $0x1;
	s9 =	simm.s32 $0x10;
	s21 =	simm.s32 $0x1180  }
0x6: {  	v0 =	vlaneseq.u32;
	s22 =	simm.s32 $0xA0;
	s23 =	simm.s32 $0x5180;
	s24 =	simm.s32 $0x120  }
0x7: {  	s25 =	simm.s32 $0x9180;
	s28 =	simm.s32 $0xCA00;
	s29 =	simm.s32 $0x5;
	v0 =	vmul.u32 $0x11, v0  }
0x8: {  	s30 =	simm.s32 $0x0;
	s0 =	sand.u32 $0x1, s0;
	s4 =	sshll.u32 s4, $0x1  }
.Ltmp0:
0x9: {  	s7 =	sor.u32 s0, s4;
	s4 =	simm.s32 $0x0;
	v1 =	vadd.s32 $0x1, v0;
	v2 =	vadd.s32 $0x2, v0;
	v3 =	vadd.s32 $0x3, v0;
	(pc) =	sbr.rel .LBB2_1-.Ltmp0, $4  }
0xa: {  	s0 =	ssub.s32 $0x2, s0;
	s5 =	smul.u32 $0x30, s7;
	[smem:$0x7FF] =	sst s4;
	v4 =	vadd.s32 $0x4, v0;
	v5 =	vadd.s32 $0x5, v0;
	v6 =	vadd.s32 $0x6, v0  }
0xb: {  	s26 =	sshrl.u32 s0, $0x1;
	s31 =	sshll.u32 s7, $0x4;
	v7 =	vadd.s32 $0x7, v0;
	v8 =	vadd.s32 $0x8, v0;
	v9 =	vadd.s32 $0x9, v0;
	_ =	strace $0x80000047  }
0xc: {  	v10 =	vadd.s32 $0xA, v0;
	v11 =	vadd.s32 $0xB, v0;
	v12 =	vadd.s32 $0xC, v0;
	s0 =	ssub.s32 s0, s26;
	s6 =	sadd.s32 s6, s31;
	s3 =	sadd.s32 s5, s3  }
0xd: {  	v13 =	vadd.s32 $0xD, v0;
	v14 =	vadd.s32 $0xE, v0;
	v15 =	vadd.s32 $0xF, v0;
	s26 =	simm.s32 $0xC180;
	s7 =	smax.u32 s0, $0x1;
	s5 =	sadd.s32 $0x600, s3  }
.LBB2_9:
0xe: {  	s30 =	sadd.s32 $0x1, s30  }
0xf: {  	p0 =	sne.s32 s30, s7  }
.Ltmp1:
0x10: {  	_ = 	snop;
	(pc) =	sbr.rel @!p0 .LBB2_10-.Ltmp1, $4  }
0x11: {  	[hbm4b:s6+s4] =	stream.linear.scatter [tilespmem:s28], [sflag:$0x5], $0x80, $0x38;
	[tilespmem:$0xCA80] =	vst v63  }
0x12: {  	_ =	swait.ge [sflag:s29], $0x80  }
0x13: {  	[sflag:s29] =	ssyncset.done $0x0  }
0x14: {  	[sflag:s29] =	ssyncadd.s32 $0xFFFFFF80  }
.LBB2_1:
0x15: {  	[tilespmem:s4], [sflag:$0x1] =	stream.linear.gather [hbm4b:s5+s4], $0x180, $0x38;
	[tilespmem:$0xCA80] =	vst v63  }
0x16: {  	_ =	swait.ge [sflag:s8], $0x180  }
0x17: {  	[sflag:s8] =	ssyncset.done $0x0  }
0x18: {  	s0 =	simm.s32 $0x180;
	[sflag:s8] =	ssyncadd.s32 $0xFFFFFE80  }
0x19: {  	[tilespmem:s0], [sflag:$0x2] =	stream.indirect.gather [hbm4b:s1+s9], $0x80, s4, s9, $0xb8;
	[tilespmem:$0xCA80] =	vst v63  }
0x1a: {  	s13 =	simm.s32 $0x80;
	s3 =	simm.s32 $0x4180  }
0x1b: {  	[tilespmem:s3], [sflag:$0x2] =	stream.indirect.gather [hbm4b:s2+s9], $0x80, s13, s9, $0xb8;
	[tilespmem:$0xCA80] =	vst v63  }
0x1c: {  	s14 =	simm.s32 $0x100;
	s15 =	simm.s32 $0x8180  }
0x1d: {  	[tilespmem:s15], [sflag:$0x2] =	stream.indirect.gather [hbm4b:s1+s9], $0x80, s14, s9, $0xb8;
	[tilespmem:$0xCA80] =	vst v63  }
0x1e: {  	s16 =	simm.s32 $0x980  }
0x1f: {  	[tilespmem:s16], [sflag:$0x3] =	stream.indirect.gather [hbm4b:s1+s9], $0x80, s9, s9, $0xb8;
	[tilespmem:$0xCA80] =	vst v63  }
0x20: {  	s17 =	simm.s32 $0x90;
	s18 =	simm.s32 $0x4980  }
0x21: {  	[tilespmem:s18], [sflag:$0x3] =	stream.indirect.gather [hbm4b:s2+s9], $0x80, s17, s9, $0xb8;
	[tilespmem:$0xCA80] =	vst v63  }
0x22: {  	s19 =	simm.s32 $0x110;
	s20 =	simm.s32 $0x8980  }
0x23: {  	[tilespmem:s20], [sflag:$0x3] =	stream.indirect.gather [hbm4b:s1+s9], $0x80, s19, s9, $0xb8;
	[tilespmem:$0xCA80] =	vst v63  }
0x24: {  	s31 =	simm.s32 $0x20  }
0x25: {  	[tilespmem:s21], [sflag:$0x4] =	stream.indirect.gather [hbm4b:s1+s9], $0x80, s31, s9, $0xb8;
	[tilespmem:$0xCA80] =	vst v63  }
0x26: {  	s11 =	simm.s32 $0x0;
	s3 =	simm.s32 $0x4200  }
0x27: {  	[tilespmem:s23], [sflag:$0x4] =	stream.indirect.gather [hbm4b:s2+s9], $0x80, s22, s9, $0xb8;
	[tilespmem:$0xCA80] =	vst v63  }
0x28: {  	s14 =	simm.s32 $0x8200;
	s20 =	simm.s32 $0x200;
	s19 =	simm.s32 $0xC180  }
0x29: {  	[tilespmem:s25], [sflag:$0x4] =	stream.indirect.gather [hbm4b:s1+s9], $0x80, s24, s9, $0xb8;
	[tilespmem:$0xCA80] =	vst v63  }
.LBB2_2:
0x2a: {  	s0 =	smul.u32 $0xAB, s11;
	_ =	sdelay $0x1  }
0x2b: {  	s0 =	sshrl.u32 s0, $0x9  }
0x2c: {  	s0 =	sand.u32 $0x7F, s0  }
0x2d: {  	s0 =	smul.u32 $0x3, s0;
	_ =	sdelay $0x1  }
0x2e: {  	s0 =	ssub.s32 s11, s0  }
0x2f: {  	s0 =	sand.u32 $0xFF, s0  }
0x30: {  	p0 =	seq.s32 s0, $0x0  }
.Ltmp2:
0x31: {  	_ = 	snop;
	(pc) =	sbr.rel @p0 .LBB2_4-.Ltmp2, $1  }
0x32: {  	_ =	sdelay $0x3  }
0x33: {  	p1 =	sne.s32 s0, $0x1  }
0x34: {  	s0 =	simm.s32 @p1 $0x4  }
0x35: {  	s0 =	simm.s32 @!p1 $0x3  }
0x36: {  	_ =	swait.ge [sflag:s0], $0x800  }
0x37: {  	[sflag:s0] =	ssyncset.done $0x0  }
0x38: {  	[sflag:s0] =	ssyncadd.s32 $0xFFFFF800  }
0x39: {  	p0 =	slt.u32 s11, $0x5;
	_ =	swait.ge [sflag:s0], $0x800  }
.Ltmp3:
0x3a: {  	[sflag:s0] =	ssyncset.done $0x0;
	(pc) =	sbr.rel @!p0 .LBB2_6-.Ltmp3, $4  }
0x3b: {  	[sflag:s0] =	ssyncadd.s32 $0xFFFFF800  }
0x3c: {  	_ =	swait.ge [sflag:s0], $0x800  }
0x3d: {  	[sflag:s0] =	ssyncset.done $0x0  }
0x3e: {  	[sflag:s0] =	ssyncadd.s32 $0xFFFFF800  }
.LBB2_5:
0x3f: {  	s10 =	sshll.u32 s11, $0x4  }
0x40: {  	s12 =	sadd.s32 $0x30, s10  }
0x41: {  	s13 =	sshll.u32 s12, $0x7  }
0x42: {  	s15 =	sor.u32 $0x180, s13  }
0x43: {  	[tilespmem:s15], [sflag:s0] =	stream.indirect.gather [hbm4b:s1+s9], $0x80, s12, s9, $0xb8;
	[tilespmem:$0xCA80] =	vst v63  }
0x44: {  	s18 =	sadd.s32 $0xB0, s10;
	s17 =	sadd.s32 $0x4180, s13  }
0x45: {  	[tilespmem:s17], [sflag:s0] =	stream.indirect.gather [hbm4b:s2+s9], $0x80, s18, s9, $0xb8;
	[tilespmem:$0xCA80] =	vst v63  }
0x46: {  	s10 =	sadd.s32 $0x130, s10;
	s31 =	sadd.s32 $0x8180, s13  }
0x47: {  	[tilespmem:s31], [sflag:s0] =	stream.indirect.gather [hbm4b:s1+s9], $0x80, s10, s9, $0xb8;
	[tilespmem:$0xCA80] =	vst v63  }
.LBB2_6:
0x48: {  	v16 =	vld [tilespmem:s14+$0xFFFFFFD0]  }
0x49: {  	v17 =	vld [tilespmem:s20+$0xFFFFFFC0]  }
0x4a: {  	v18 =	vld [tilespmem:s3+$0xFFFFFFC0]  }
0x4b: {  	v19 =	vld [tilespmem:s14+$0xFFFFFFF0]  }
0x4c: {  	v20 =	vld [tilespmem:s3+$0xFFFFFFF0]  }
0x4d: {  	v21 =	vld [tilespmem:s20+$0xFFFFFFD0]  }
0x4e: {  	v22 =	vld [tilespmem:s14+$0xFFFFFFC0]  }
0x4f: {  	v23 =	vld [tilespmem:s3+$0xFFFFFFD0]  }
0x50: {  	v24 =	vld [tilespmem:s20+$0xFFFFFFF0]  }
0x51: {  	v25 =	vld [tilespmem:s14+$0xFFFFFFA0]  }
0x52: {  	v26 =	vld [tilespmem:s14+$0xFFFFFFB0]  }
0x53: {  	v27 =	vld [tilespmem:s20+$0xFFFFFF80]  }
0x54: {  	v28 =	vld [tilespmem:s3+$0xFFFFFFB0]  }
0x55: {  	v29 =	vld [tilespmem:s20+$0xFFFFFFB0]  }
0x56: {  	v30 =	vld [tilespmem:s3+$0xFFFFFFA0]  }
0x57: {  	v31 =	vld [tilespmem:s20+$0xFFFFFFA0]  }
0x58: {  	v32 =	vld [tilespmem:s3+$0xFFFFFF90]  }
0x59: {  	v33 =	vld [tilespmem:s20+$0xFFFFFF90]  }
0x5a: {  	v34 =	vld [tilespmem:s3+$0xFFFFFF80];
	v21 =	vadd.f32 v23, v21  }
0x5b: {  	v17 =	vadd.f32 v18, v17;
	v18 =	vld [tilespmem:s14+$0xFFFFFF90]  }
0x5c: {  	v20 =	vadd.f32 v20, v24;
	v23 =	vld [tilespmem:s14+$0xFFFFFF80];
	v16 =	vsub.f32 v21, v16  }
0x5d: {  	v17 =	vsub.f32 v17, v22;
	v21 =	vld [tilespmem:s3+$0xFFFFFFE0];
	v22 =	vadd.f32 v28, v29  }
0x5e: {  	v24 =	vadd.f32 v32, v33;
	v28 =	vld [tilespmem:s20+$0xFFFFFFE0];
	v29 =	vadd.f32 v30, v31  }
0x5f: {  	v27 =	vadd.f32 v34, v27;
	v22 =	vsub.f32 v22, v26  }
0x60: {  	v25 =	vsub.f32 v29, v25;
	v18 =	vsub.f32 v24, v18;
	v24 =	vld [tilespmem:s14+$0xFFFFFFE0]  }
0x61: {  	v23 =	vsub.f32 v27, v23  }
0x62: {  	v19 =	vsub.f32 v20, v19;
	v20 =	vand.u32 $0x7FFFFFFF, v22;
	v22 =	vand.u32 $0x7FFFFFFF, v25  }
0x63: {  	v18 =	vand.u32 $0x7FFFFFFF, v18;
	v23 =	vand.u32 $0x7FFFFFFF, v23;
	v21 =	vadd.f32 v21, v28  }
0x64: {  	v18 =	vadd.f32 v20, v18;
	v20 =	vadd.f32 v22, v23  }
0x65: {  	v16 =	vand.u32 $0x7FFFFFFF, v16;
	v17 =	vand.u32 $0x7FFFFFFF, v17;
	v21 =	vsub.f32 v21, v24  }
0x66: {  	v16 =	vadd.f32 v16, v18;
	v17 =	vadd.f32 v17, v20  }
0x67: {  	v18 =	vand.u32 $0x7FFFFFFF, v19;
	v19 =	vand.u32 $0x7FFFFFFF, v21  }
0x68: {  	v16 =	vadd.f32 v18, v16;
	v17 =	vadd.f32 v19, v17;
	_ =	sdelay $0x1  }
0x69: {  	v16 =	vadd.f32 v16, v17;
	_ =	sdelay $0x1  }
0x6a: {  	[tilespmem:s19+$0x0] =	vst v16  }
0x6b: {  	v17 =	vld [tilespmem:s20+$0x0]  }
0x6c: {  	v21 =	vld [tilespmem:s3+$0x0]  }
0x6d: {  	v23 =	vld [tilespmem:s20+$0x10]  }
0x6e: {  	v25 =	vld [tilespmem:s3+$0x10]  }
0x6f: {  	v20 =	vld [tilespmem:s20+$0x20]  }
0x70: {  	v26 =	vld [tilespmem:s14+$0x0]  }
0x71: {  	v19 =	vld [tilespmem:s3+$0x30]  }
0x72: {  	v18 =	vld [tilespmem:s14+$0x40]  }
0x73: {  	v28 =	vld [tilespmem:s14+$0x70]  }
0x74: {  	v27 =	vld [tilespmem:s3+$0x70]  }
0x75: {  	v29 =	vld [tilespmem:s20+$0x70]  }
0x76: {  	v63 =	vld [tilespmem:s14+$0x10]  }
0x77: {  	v16 =	vld [tilespmem:s3+$0x60]  }
0x78: {  	v22 =	vld [tilespmem:s3+$0x50]  }
0x79: {  	v24 =	vld [tilespmem:s3+$0x40];
	v17 =	vadd.f32 v21, v17  }
0x7a: {  	s12 =	sshll.u32 s11, $0x4;
	s15 =	simm.s32 $0x0;
	s17 =	sadd.s32 $0x100, s3;
	v23 =	vadd.f32 v25, v23;
	v25 =	vld [tilespmem:s3+$0x20];
	v29 =	vadd.f32 v27, v29  }
0x7b: {  	s18 =	sadd.s32 $0x100, s14;
	s31 =	smov.u32 s20;
	s13 =	smov.u32 s19;
	v21 =	vsub.f32 v17, v26;
	v26 =	vld [tilespmem:s20+$0x40]  }
0x7c: {  	s16 =	smov.u32 s20;
	s0 =	smov.u32 s14;
	s10 =	smov.u32 s19;
	v27 =	vld [tilespmem:s14+$0x20];
	v23 =	vsub.f32 v23, v63;
	v17 =	vsub.f32 v29, v28  }
.LBB2_7:
0x7d: {  	s15 =	sadd.s32 $0x2, s15;
	v28 =	vld [tilespmem:s31+$0x30];
	s13 =	sadd.s32 $0x22, s13;
	s16 =	sadd.s32 $0x100, s16  }
0x7e: {  	p0 =	slt.u32 s15, $0xE;
	v29 =	vld [tilespmem:s31+$0x50]  }
0x7f: {  	v20 =	vadd.f32 v25, v20;
	v25 =	vld [tilespmem:s0+$0x30]  }
0x80: {  	v24 =	vadd.f32 v24, v26;
	v26 =	vld [tilespmem:s0+$0x50]  }
0x81: {  	v20 =	vsub.f32 v20, v27;
	v27 =	vld [tilespmem:s31+$0x60];
	s31 =	smov.u32 s16  }
0x82: {  	v19 =	vadd.f32 v19, v28;
	v18 =	vsub.f32 v24, v18  }
0x83: {  	v21 =	vand.u32 $0x7FFFFFFF, v21;
	v20 =	vand.u32 $0x7FFFFFFF, v20;
	v22 =	vadd.f32 v22, v29;
	v24 =	vld [tilespmem:s0+$0x60];
	s0 =	smov.u32 s18  }
0x84: {  	v20 =	vadd.f32 v20, v21;
	v19 =	vsub.f32 v19, v25  }
0x85: {  	v21 =	vand.u32 $0x7FFFFFFF, v23;
	v18 =	vand.u32 $0x7FFFFFFF, v18;
	v22 =	vsub.f32 v22, v26  }
0x86: {  	v19 =	vand.u32 $0x7FFFFFFF, v19;
	v18 =	vadd.f32 v18, v20;
	v16 =	vadd.f32 v16, v27  }
0x87: {  	v19 =	vadd.f32 v19, v21  }
0x88: {  	v20 =	vand.u32 $0x7FFFFFFF, v22;
	v16 =	vsub.f32 v16, v24  }
0x89: {  	v19 =	vadd.f32 v20, v19  }
0x8a: {  	v17 =	vand.u32 $0x7FFFFFFF, v17;
	v16 =	vand.u32 $0x7FFFFFFF, v16  }
0x8b: {  	v16 =	vadd.f32 v16, v18;
	v17 =	vadd.f32 v17, v19;
	_ =	sdelay $0x1  }
0x8c: {  	v16 =	vadd.f32 v17, v16;
	_ =	sdelay $0x1  }
0x8d: {  	[tilespmem:s10+$0x11] =	vst v16;
	s10 =	smov.u32 s13  }
0x8e: {  	v16 =	vld [tilespmem:s18+$0xFFFFFFD0]  }
0x8f: {  	v17 =	vld [tilespmem:s16+$0xFFFFFFC0]  }
0x90: {  	v18 =	vld [tilespmem:s17+$0xFFFFFFC0]  }
0x91: {  	v19 =	vld [tilespmem:s18+$0xFFFFFFF0]  }
0x92: {  	v20 =	vld [tilespmem:s17+$0xFFFFFFF0]  }
0x93: {  	v21 =	vld [tilespmem:s16+$0xFFFFFFD0]  }
0x94: {  	v22 =	vld [tilespmem:s18+$0xFFFFFFC0]  }
0x95: {  	v23 =	vld [tilespmem:s17+$0xFFFFFFD0]  }
0x96: {  	v24 =	vld [tilespmem:s16+$0xFFFFFFF0]  }
0x97: {  	v25 =	vld [tilespmem:s18+$0xFFFFFFA0]  }
0x98: {  	v26 =	vld [tilespmem:s18+$0xFFFFFFB0]  }
0x99: {  	v27 =	vld [tilespmem:s16+$0xFFFFFF80]  }
0x9a: {  	v28 =	vld [tilespmem:s17+$0xFFFFFFB0];
	v21 =	vadd.f32 v23, v21  }
0x9b: {  	v17 =	vadd.f32 v18, v17;
	v23 =	vld [tilespmem:s16+$0xFFFFFFB0];
	v18 =	vadd.f32 v20, v24  }
0x9c: {  	v20 =	vld [tilespmem:s17+$0xFFFFFFA0];
	v16 =	vsub.f32 v21, v16  }
0x9d: {  	v17 =	vsub.f32 v17, v22;
	v21 =	vld [tilespmem:s16+$0xFFFFFFA0];
	v18 =	vsub.f32 v18, v19  }
0x9e: {  	v19 =	vld [tilespmem:s17+$0xFFFFFF90]  }
0x9f: {  	v22 =	vld [tilespmem:s16+$0xFFFFFF90];
	v18 =	vand.u32 $0x7FFFFFFF, v18  }
0xa0: {  	v24 =	vld [tilespmem:s17+$0xFFFFFF80];
	v23 =	vadd.f32 v28, v23  }
0xa1: {  	v28 =	vld [tilespmem:s18+$0xFFFFFF90]  }
0xa2: {  	v29 =	vld [tilespmem:s18+$0xFFFFFF80];
	v20 =	vadd.f32 v20, v21;
	v21 =	vsub.f32 v23, v26  }
0xa3: {  	v23 =	vld [tilespmem:s17+$0xFFFFFFE0]  }
0xa4: {  	v19 =	vadd.f32 v19, v22;
	v20 =	vsub.f32 v20, v25;
	v21 =	vand.u32 $0x7FFFFFFF, v21;
	v22 =	vld [tilespmem:s16+$0xFFFFFFE0]  }
0xa5: {  	v24 =	vadd.f32 v24, v27  }
0xa6: {  	v19 =	vsub.f32 v19, v28;
	v25 =	vld [tilespmem:s18+$0xFFFFFFE0]  }
0xa7: {  	v24 =	vsub.f32 v24, v29  }
0xa8: {  	v20 =	vand.u32 $0x7FFFFFFF, v20;
	v19 =	vand.u32 $0x7FFFFFFF, v19  }
0xa9: {  	v24 =	vand.u32 $0x7FFFFFFF, v24;
	v19 =	vadd.f32 v21, v19;
	v21 =	vadd.f32 v23, v22  }
0xaa: {  	v16 =	vand.u32 $0x7FFFFFFF, v16;
	v20 =	vadd.f32 v20, v24  }
0xab: {  	v17 =	vand.u32 $0x7FFFFFFF, v17;
	v16 =	vadd.f32 v16, v19;
	v19 =	vsub.f32 v21, v25  }
0xac: {  	v17 =	vadd.f32 v17, v20  }
0xad: {  	v19 =	vand.u32 $0x7FFFFFFF, v19;
	v16 =	vadd.f32 v18, v16  }
0xae: {  	v17 =	vadd.f32 v19, v17;
	_ =	sdelay $0x1  }
0xaf: {  	v16 =	vadd.f32 v16, v17;
	_ =	sdelay $0x1  }
0xb0: {  	[tilespmem:s13+$0x0] =	vst v16  }
0xb1: {  	v16 =	vld [tilespmem:s16+$0x0]  }
0xb2: {  	v17 =	vld [tilespmem:s17+$0x0]  }
0xb3: {  	v21 =	vld [tilespmem:s16+$0x10]  }
0xb4: {  	v22 =	vld [tilespmem:s17+$0x10]  }
0xb5: {  	v20 =	vld [tilespmem:s16+$0x20]  }
0xb6: {  	v23 =	vld [tilespmem:s18+$0x0]  }
0xb7: {  	v16 =	vadd.f32 v17, v16;
	v19 =	vld [tilespmem:s17+$0x30]  }
0xb8: {  	v18 =	vld [tilespmem:s18+$0x40]  }
0xb9: {  	v17 =	vadd.f32 v22, v21;
	v28 =	vld [tilespmem:s18+$0x70]  }
0xba: {  	v26 =	vld [tilespmem:s17+$0x70]  }
0xbb: {  	v21 =	vsub.f32 v16, v23;
	v23 =	vld [tilespmem:s16+$0x70]  }
0xbc: {  	v27 =	vld [tilespmem:s18+$0x10]  }
0xbd: {  	v16 =	vld [tilespmem:s17+$0x60]  }
.Ltmp4:
0xbe: {  	v22 =	vld [tilespmem:s17+$0x50];
	(pc) =	sbr.rel @p0 .LBB2_7-.Ltmp4, $4  }
0xbf: {  	v24 =	vld [tilespmem:s17+$0x40]  }
0xc0: {  	v25 =	vld [tilespmem:s17+$0x20];
	v29 =	vadd.f32 v26, v23  }
0xc1: {  	v23 =	vsub.f32 v17, v27;
	v26 =	vld [tilespmem:s16+$0x40]  }
0xc2: {  	s18 =	sadd.s32 $0x100, s18;
	s17 =	sadd.s32 $0x100, s17;
	v27 =	vld [tilespmem:s0+$0x20];
	v17 =	vsub.f32 v29, v28  }
0xc3: {  	v28 =	vld [tilespmem:s31+$0x30]  }
0xc4: {  	v29 =	vld [tilespmem:s31+$0x50]  }
0xc5: {  	v30 =	vld [tilespmem:s0+$0x30]  }
0xc6: {  	v48 =	vld [tilespmem:s31+$0x60]  }
0xc7: {  	v31 =	vld [tilespmem:s0+$0x50];
	v20 =	vadd.f32 v25, v20  }
0xc8: {  	v19 =	vadd.f32 v19, v28  }
0xc9: {  	v49 =	vld [tilespmem:s0+$0x60];
	v21 =	vand.u32 $0x7FFFFFFF, v21;
	v24 =	vadd.f32 v24, v26;
	v20 =	vsub.f32 v20, v27  }
0xca: {  	v23 =	vand.u32 $0x7FFFFFFF, v23;
	v22 =	vadd.f32 v22, v29;
	v19 =	vsub.f32 v19, v30  }
0xcb: {  	v50 =	vmov s12;
	v18 =	vsub.f32 v24, v18;
	v16 =	vadd.f32 v16, v48  }
0xcc: {  	v20 =	vand.u32 $0x7FFFFFFF, v20;
	v22 =	vsub.f32 v22, v31;
	v19 =	vand.u32 $0x7FFFFFFF, v19  }
0xcd: {  	v51 =	vmul.u32 $0x11, v50;
	v20 =	vadd.f32 v20, v21;
	v19 =	vadd.f32 v19, v23  }
0xce: {  	v18 =	vand.u32 $0x7FFFFFFF, v18;
	v16 =	vsub.f32 v16, v49;
	v22 =	vand.u32 $0x7FFFFFFF, v22  }
0xcf: {  	v52 =	vbroadcast v51, $0x0;
	v18 =	vadd.f32 v18, v20;
	v19 =	vadd.f32 v22, v19  }
0xd0: {  	v17 =	vand.u32 $0x7FFFFFFF, v17;
	v16 =	vand.u32 $0x7FFFFFFF, v16  }
0xd1: {  	v53 =	vadd.s32 v0, v52;
	v16 =	vadd.f32 v16, v18;
	v17 =	vadd.f32 v17, v19;
	_ =	sdelay $0x1  }
0xd2: {  	v16 =	vadd.f32 v17, v16;
	v17 =	vadd.s32 v1, v52;
	_ =	sdelay $0x1  }
0xd3: {  	[tilespmem:s10+$0x11] =	vst v16;
	v16 =	vadd.s32 v2, v52  }
0xd4: {  	v18 =	vld.idx.msk [tilespmem:v53+s26+$0x0], $0xffff  }
0xd5: {  	v54 =	vadd.s32 v3, v52  }
0xd6: {  	v17 =	vld.idx.msk [tilespmem:v17+s26+$0x0], $0xffff  }
0xd7: {  	v21 =	vadd.s32 v4, v52  }
0xd8: {  	v16 =	vld.idx.msk [tilespmem:v16+s26+$0x0], $0xffff  }
0xd9: {  	v55 =	vadd.s32 v5, v52;
	v18 =	vadd.f32 $0.0e+00, v18  }
0xda: {  	v19 =	vld.idx.msk [tilespmem:v54+s26+$0x0], $0xffff  }
0xdb: {  	v56 =	vadd.s32 v6, v52;
	v17 =	vadd.f32 v17, v18  }
0xdc: {  	v21 =	vld.idx.msk [tilespmem:v21+s26+$0x0], $0xffff  }
0xdd: {  	v16 =	vadd.f32 v16, v17;
	v17 =	vadd.s32 v7, v52  }
0xde: {  	v22 =	vld.idx.msk [tilespmem:v55+s26+$0x0], $0xffff  }
0xdf: {  	v57 =	vadd.s32 v8, v52;
	v16 =	vadd.f32 v19, v16  }
0xe0: {  	v18 =	vld.idx.msk [tilespmem:v56+s26+$0x0], $0xffff  }
0xe1: {  	v58 =	vadd.s32 v9, v52;
	v16 =	vadd.f32 v21, v16  }
0xe2: {  	v17 =	vld.idx.msk [tilespmem:v17+s26+$0x0], $0xffff  }
0xe3: {  	v59 =	vadd.s32 v10, v52;
	v16 =	vadd.f32 v22, v16  }
0xe4: {  	v19 =	vld.idx.msk [tilespmem:v57+s26+$0x0], $0xffff  }
0xe5: {  	v60 =	vadd.s32 v11, v52;
	v16 =	vadd.f32 v18, v16  }
0xe6: {  	v21 =	vld.idx.msk [tilespmem:v58+s26+$0x0], $0xffff  }
0xe7: {  	v16 =	vadd.f32 v17, v16;
	v17 =	vadd.s32 v12, v52  }
0xe8: {  	v22 =	vld.idx.msk [tilespmem:v59+s26+$0x0], $0xffff  }
0xe9: {  	v61 =	vadd.s32 v13, v52;
	v16 =	vadd.f32 v19, v16  }
0xea: {  	v18 =	vld.idx.msk [tilespmem:v60+s26+$0x0], $0xffff  }
0xeb: {  	v62 =	vadd.s32 v14, v52;
	v16 =	vadd.f32 v21, v16  }
0xec: {  	v17 =	vld.idx.msk [tilespmem:v17+s26+$0x0], $0xffff  }
0xed: {  	v20 =	vadd.s32 v15, v52;
	v16 =	vadd.f32 v22, v16  }
0xee: {  	v19 =	vld.idx.msk [tilespmem:v61+s26+$0x0], $0xffff  }
0xef: {  	v16 =	vadd.f32 v18, v16  }
0xf0: {  	v63 =	vld.idx.msk [tilespmem:v62+s26+$0x0], $0xffff  }
0xf1: {  	v16 =	vadd.f32 v17, v16  }
0xf2: {  	v17 =	vld.idx.msk [tilespmem:v20+s26+$0x0], $0xffff  }
0xf3: {  	v16 =	vadd.f32 v19, v16;
	_ =	sdelay $0x1  }
0xf4: {  	s11 =	sadd.s32 $0x1, s11;
	v16 =	vadd.f32 v63, v16  }
0xf5: {  	p0 =	sne.s32 s11, $0x8  }
.Ltmp5:
0xf6: {  	v16 =	vadd.f32 v17, v16;
	(pc) =	sbr.rel @p0 .LBB2_2-.Ltmp5, $4  }
.Ltmp6:
0xf7: {  	_ = 	snop;
	(pc) =	sbr.rel @!p0 .LBB2_9-.Ltmp6, $4  }
0xf8: {  	v16 =	vsub.f32 $1.200000000e+01, v16  }
0xf9: {  	s19 =	sadd.s32 $0x110, s19  }
0xfa: {  	s20 =	sadd.s32 $0x800, s20;
	s3 =	sadd.s32 $0x800, s3;
	s14 =	sadd.s32 $0x800, s14;
	[tilespmem:s12+$0xCA00] =	vst v16  }
0xfb: {  	_ = 	snop  }
.LBB2_4:
0xfc: {  	s0 =	simm.s32 $0x2  }
0xfd: {  	_ =	swait.ge [sflag:s0], $0x800  }
0xfe: {  	[sflag:s0] =	ssyncset.done $0x0  }
0xff: {  	[sflag:s0] =	ssyncadd.s32 $0xFFFFF800  }
0x100: {  	p0 =	sgt.u32 s11, $0x4;
	_ =	swait.ge [sflag:s0], $0x800  }
.Ltmp7:
0x101: {  	[sflag:s0] =	ssyncset.done $0x0;
	(pc) =	sbr.rel @p0 .LBB2_6-.Ltmp7, $4  }
.Ltmp8:
0x102: {  	[sflag:s0] =	ssyncadd.s32 $0xFFFFF800;
	(pc) =	sbr.rel @!p0 .LBB2_5-.Ltmp8, $4  }
0x103: {  	_ =	swait.ge [sflag:s0], $0x800  }
0x104: {  	[sflag:s0] =	ssyncset.done $0x0  }
0x105: {  	[sflag:s0] =	ssyncadd.s32 $0xFFFFF800  }
0x106: {  	_ = 	snop  }
.LBB2_10:
0x107: {  	_ =	sfence.sel $0x180000  }
0x108: {  	[bflag:$0x0] =	sbarrier.arrive $0xFFFF  }
0x109: {  	_ =	strace $0x90000047  }
0x10a: {  	s0 =	stileid.u32;
	[bflag:$0x2] =	sbarrier.arrive $0xFFFF  }
0x10b: {  	p0 =	sne.s32 s0, $0x0;
	s0 =	rddreg [dreg:$0x4]  }
0x10c: {  	s0 =	sadd.s32 @!p0 $0x100000, s0  }
0x10d: {  	[sflag:s0] =	ssyncadd.tile.s32 @!p0 $0x1;
	_ =	shalt  }
.Lfunc_end2:
_tile_overlayer_lowered:
.L_overlay_start_2:
0x10e: {  	(tag) =	ssettag $0x2  }
0x10f: {  	s0 =	rddreg [dreg:$0x0];
	s2 =	stileid.u32  }
0x110: {  	s1 =	rddreg [dreg:$0x1];
	p0 =	sne.s32 s2, $0x0  }
0x111: {  	s3 =	rddreg [dreg:$0x2];
	[bflag:$0x3] =	sbarrier.arrive $0xFFFF;
	s2 =	simm.s32 @!p0 $0x1C05  }
0x112: {  	[timem:s3], [sflag:s2] =	dma.local @!p0 [hbm:s0], s1  }
0x113: {  	s0 =	simm.s32 @!p0 $0x5  }
0x114: {  	_ =	swait.ge @!p0 [sflag:s0], s1  }
0x115: {  	s1 =	ssub.s32 @!p0 $0x0, s1;
	[sflag:s0] =	ssyncset.done @!p0 $0x0  }
0x116: {  	[sflag:s0] =	ssyncadd.s32 @!p0 s1  }
0x117: {  	[bflag:$0x3] =	sbarrier.arrive $0xFFFF  }
0x118: {  	_ =	shalt  }

</sc_bundles>
